<compile_context>
chip_gen: v7x
topology: tpu7x:2x2x1
jax: 0.10.2.dev20260603
libtpu: 0.0.44.dev20260713+nightly
codegen_flags: <defaults>
</compile_context>

<pallas_src>
import functools

import jax
import jax.numpy as jnp
from jax import lax
from jax.experimental import pallas as pl
from jax.experimental.pallas import tpu as pltpu
from jax.experimental.pallas import tpu_sc as plsc

B, S = 4096, 50
N = B * S
FD, RD, OUT = 32, 32, 128
NR = 50
KP = 52
GW = KP * FD

NC, NS = 2, 16
NW = NC * NS
BATCH_W = B // NW
NSUPER = 4
BATCH_SUP = BATCH_W // NSUPER
NCHUNK = 4
BATCH_CH = BATCH_SUP // NCHUNK
CH = BATCH_CH * S
GROWS_SUP = BATCH_SUP * KP
NZB = GROWS_SUP // 832
NSCAT = 5
SCAT = CH // NSCAT

NB_BLK = 128
GRID = B // NB_BLK
PAD_BLK = 512



def _sc_densify(fpad, rpad):
    mesh = plsc.VectorSubcoreMesh(core_axis_name="c", subcore_axis_name="s")

    @functools.partial(
        pl.kernel,
        out_type=(jax.ShapeDtypeStruct((N,), jnp.int32),
                  jax.ShapeDtypeStruct((N,), jnp.int32)),
        mesh=mesh,
        scratch_types=[
            pltpu.VMEM((BATCH_CH, 128), jnp.int32),
            pltpu.VMEM((BATCH_CH, 128), jnp.int32),
            pltpu.VMEM((CH,), jnp.int32),
            pltpu.VMEM((CH,), jnp.int32),
        ],
        compiler_params=pltpu.CompilerParams(use_tc_tiling_on_sc=True),
    )
    def k(fi_hbm, ri_hbm, fo_hbm, ro_hbm, fpad_v, rpad_v, fdense_v, rdense_v):
        cid = lax.axis_index("c")
        sid = lax.axis_index("s")
        wid = sid * NC + cid

        @pl.loop(0, BATCH_W // BATCH_CH)
        def _(cc):
            b0 = wid * BATCH_W + cc * BATCH_CH
            pltpu.sync_copy(fi_hbm.at[pl.ds(b0, BATCH_CH)], fpad_v)
            pltpu.sync_copy(ri_hbm.at[pl.ds(b0, BATCH_CH)], rpad_v)

            @pl.loop(0, BATCH_CH)
            def _(bi):
                for c in (0, 16, 32, 34):
                    fdense_v[pl.ds(bi * S + c, 16)] = fpad_v[bi, pl.ds(c, 16)]
                    rdense_v[pl.ds(bi * S + c, 16)] = rpad_v[bi, pl.ds(c, 16)]

            pltpu.sync_copy(fdense_v, fo_hbm.at[pl.ds(b0 * S, CH)])
            pltpu.sync_copy(rdense_v, ro_hbm.at[pl.ds(b0 * S, CH)])

    return k(fpad, rpad)

def _sc_bind(table, f_idx, r_idx):
    mesh = plsc.VectorSubcoreMesh(core_axis_name="c", subcore_axis_name="s")

    @functools.partial(
        pl.kernel,
        out_type=jax.ShapeDtypeStruct((B * KP, FD), jnp.float32),
        mesh=mesh,
        scratch_types=[
            pltpu.VMEM((CH,), jnp.int32),
            pltpu.VMEM((CH,), jnp.int32),
            pltpu.VMEM((NSCAT, SCAT), jnp.int32),
            pltpu.VMEM((CH, FD), jnp.float32),
            pltpu.VMEM((832, FD), jnp.float32),
            pltpu.VMEM_SHARED((NS, GROWS_SUP, FD), jnp.float32),
        ],
        compiler_params=pltpu.CompilerParams(use_tc_tiling_on_sc=False),
    )
    def k(tab_hbm, fi_hbm, ri_hbm, g_hbm,
          fidx_v, ridx_v, tgt_v, rows_v, zeros_v, acc_sh):
        cid = lax.axis_index("c")
        sid = lax.axis_index("s")
        wid = sid * NC + cid
        iota16 = lax.broadcasted_iota(jnp.int32, (16,), 0)
        z16 = jnp.zeros((16,), jnp.float32)

        @pl.loop(0, 832)
        def _(i):
            zeros_v[i, pl.ds(0, 16)] = z16
            zeros_v[i, pl.ds(16, 16)] = z16

        acc = acc_sh.at[sid]

        @pl.loop(0, NSUPER)
        def _(h):
            b_sup = wid * BATCH_W + h * BATCH_SUP

            @pl.loop(0, NZB)
            def _(zb):
                pltpu.sync_copy(zeros_v, acc.at[pl.ds(zb * 832, 832)])

            @pl.loop(0, NCHUNK)
            def _(cc):
                goff = (b_sup + cc * BATCH_CH) * S
                pltpu.sync_copy(fi_hbm.at[pl.ds(goff, CH)], fidx_v)
                pltpu.sync_copy(ri_hbm.at[pl.ds(goff, CH)], ridx_v)
                pltpu.sync_copy(tab_hbm.at[fidx_v], rows_v)

                @pl.loop(0, NSCAT)
                def _(j):
                    for t in range(SCAT // 16):
                        r0 = j * SCAT + t * 16
                        role16 = ridx_v[pl.ds(r0, 16)]
                        bloc = lax.shift_right_logical(
                            (r0 + iota16) * 1311, 16)
                        tgt = bloc * KP + cc * (BATCH_CH * KP) + role16
                        tgt_v[j, pl.ds(t * 16, 16)] = tgt

                @pl.loop(0, NSCAT)
                def _(j):
                    pltpu.sync_copy(rows_v.at[pl.ds(j * SCAT, SCAT)],
                                    acc.at[tgt_v.at[j]], add=True)

            pltpu.sync_copy(acc, g_hbm.at[pl.ds(b_sup * KP, GROWS_SUP)])

    return k(table, f_idx, r_idx)


TBLK = 4096
NTB = -(-1000000 // TBLK)


def _xpose_body(x_ref, o_ref):
    xt = x_ref[...].T
    z = xt.reshape(TBLK // 4, 4, FD)
    o_ref[...] = jnp.concatenate([z[:, j, :] for j in range(4)], axis=1)


def _transpose_table(emb_t):
    return pl.pallas_call(
        _xpose_body,
        grid=(NTB,),
        in_specs=[pl.BlockSpec((FD, TBLK), lambda i: (0, i))],
        out_specs=pl.BlockSpec((TBLK // 4, 128), lambda i: (i, 0)),
        out_shape=jax.ShapeDtypeStruct((250000, 128), jnp.float32),
    )(emb_t)


def _pad_body(f_ref, r_ref, fo_ref, ro_ref):
    z = jnp.zeros((PAD_BLK, 128 - S), jnp.int32)
    fo_ref[...] = jnp.concatenate([f_ref[...], z], axis=1)
    ro_ref[...] = jnp.concatenate([r_ref[...], z], axis=1)


def _pad_idx(filler_list, role_list):
    return pl.pallas_call(
        _pad_body,
        grid=(B // PAD_BLK,),
        in_specs=[
            pl.BlockSpec((PAD_BLK, S), lambda i: (i, 0)),
            pl.BlockSpec((PAD_BLK, S), lambda i: (i, 0)),
        ],
        out_specs=[
            pl.BlockSpec((PAD_BLK, 128), lambda i: (i, 0)),
            pl.BlockSpec((PAD_BLK, 128), lambda i: (i, 0)),
        ],
        out_shape=[jax.ShapeDtypeStruct((B, 128), jnp.int32),
                   jax.ShapeDtypeStruct((B, 128), jnp.int32)],
    )(filler_list, role_list)


def _tc_body(g_ref, remb_ref, w_ref, b_ref, o_ref, m_scr):
    @pl.when(pl.program_id(0) == 0)
    def _():
        remb_rep = jnp.broadcast_to(
            remb_ref[...][:, None, :], (NR, FD, RD)).reshape(NR * FD, RD)
        rr = lax.broadcasted_iota(jnp.int32, (RD, FD * RD), 0)
        cc = lax.broadcasted_iota(jnp.int32, (RD, FD * RD), 1)
        tmat = (rr == cc % RD).astype(jnp.float32)
        raw = jnp.dot(remb_rep, tmat, preferred_element_type=jnp.float32)
        mr = lax.broadcasted_iota(jnp.int32, (NR * FD, FD * RD), 0)
        mc = lax.broadcasted_iota(jnp.int32, (NR * FD, FD * RD), 1)
        e_all = raw * (mr % FD == mc // RD).astype(jnp.float32)
        m_scr[...] = jnp.zeros((GW, OUT), jnp.float32)
        m_scr[pl.ds(0, NR * FD), :] = lax.dot_general(
            e_all, w_ref[...], (((1,), (1,)), ((), ())),
            preferred_element_type=jnp.float32)

    o_ref[...] = jnp.dot(g_ref[...], m_scr[...],
                         preferred_element_type=jnp.float32) + b_ref[...]


def _tc_compute(g2, role_emb, w, b2):
    return pl.pallas_call(
        _tc_body,
        grid=(GRID,),
        in_specs=[
            pl.BlockSpec((NB_BLK, GW), lambda i: (i, 0)),
            pl.BlockSpec((NR, RD), lambda i: (0, 0)),
            pl.BlockSpec((OUT, FD * RD), lambda i: (0, 0)),
            pl.BlockSpec((1, OUT), lambda i: (0, 0)),
        ],
        out_specs=pl.BlockSpec((NB_BLK, OUT), lambda i: (i, 0)),
        out_shape=jax.ShapeDtypeStruct((B, OUT), jnp.float32),
        scratch_shapes=[pltpu.VMEM((GW, OUT), jnp.float32)],
    )(g2, role_emb, w, b2)


@jax.jit
def kernel(filler_list, role_list, filler_emb, role_emb, W, b):
    fpad, rpad = _pad_idx(filler_list, role_list)
    f_idx, r_idx = _sc_densify(fpad, rpad)
    table_rm = _transpose_table(filler_emb.T).reshape(1000000, FD)
    g = _sc_bind(table_rm, f_idx, r_idx)
    return _tc_compute(g.reshape(B, GW), role_emb, W, b.reshape(1, -1))

# --- scband reference (transcript-rebuilt; emitter-appended) ---
"""Pipeline reference for scband-tensor-product-encoder-9440338117096 (READ-ONLY COPY).

The authoritative reference and input builder live on the scoring server;
editing this copy changes nothing except your own understanding.
"""

import jax, jax.numpy as jnp
import numpy as np

B, S = 4096, 50
N_FILLERS, N_ROLES = 1000000, 50
FD, RD, OUT = 32, 32, 128

def setup_inputs(seed: int = 0) -> dict:
    key = jax.random.key(seed)
    k1, k2, k3, k4, k5, k6 = jax.random.split(key, 6)
    filler_list = jax.random.randint(k1, (B, S), 0, N_FILLERS)
    role_list = jax.random.randint(k2, (B, S), 0, N_ROLES)
    filler_emb = jax.random.normal(k3, (N_FILLERS, FD), dtype=jnp.float32)
    role_emb = jax.random.normal(k4, (N_ROLES, RD), dtype=jnp.float32)
    bound = 1.0 / np.sqrt(FD * RD)
    W = jax.random.uniform(k5, (OUT, FD * RD), minval=-bound, maxval=bound, dtype=jnp.float32)
    b = jax.random.uniform(k6, (OUT,), minval=-bound, maxval=bound, dtype=jnp.float32)
    return {"filler_list": filler_list, "role_list": role_list,
            "filler_emb": filler_emb, "role_emb": role_emb, "W": W, "b": b}

def reference(filler_list, role_list, filler_emb, role_emb, W, b):
    # Embedding lookups (gathers)
    fillers_embedded = jnp.take(filler_emb, filler_list, axis=0)  # [B, S, FD]
    roles_embedded = jnp.take(role_emb, role_list, axis=0)        # [B, S, RD]
    # sum_layer: sum over sequence of outer products (tensor product binding)
    bound_sum = jnp.einsum('bsf,bsr->bfr', fillers_embedded, roles_embedded)  # [B, FD, RD]
    flat = bound_sum.reshape(B, FD * RD)
    # last_layer: Linear
    output = flat @ W.T + b
    return output

if __name__ == "__main__":
    import jax
    _d = setup_inputs()
    print(jax.jit(kernel)(*tuple(_d.values())))

</pallas_src>

<mosaic_0001>
#map = affine_map<(d0, d1) -> (0, 0)>
#map1 = affine_map<(d0, d1) -> (0)>
module attributes {stable_mosaic.version = 14 : i64} {
  func.func @k(%arg0: i32, %arg1: i32, %arg2: memref<4096x128xi32, #tpu.memory_space<hbm>>, %arg3: memref<4096x128xi32, #tpu.memory_space<hbm>>, %arg4: memref<204800xi32, #tpu.memory_space<hbm>>, %arg5: memref<204800xi32, #tpu.memory_space<hbm>>, %arg6: memref<8x128xi32, #tpu.memory_space<vmem>>, %arg7: memref<8x128xi32, #tpu.memory_space<vmem>>, %arg8: memref<400xi32, #tpu.memory_space<vmem>>, %arg9: memref<400xi32, #tpu.memory_space<vmem>>) attributes {dimension_semantics = [#tpu.dimension_semantics<core_parallel>, #tpu.dimension_semantics<subcore_parallel>], iteration_bounds = array<i64: 2, 16>, scalar_prefetch = 0 : i64, scratch_operands = 4 : i64, tpu.core_type = #tpu.core_type<sc_vector_subcore>, window_params = [{transform_indices = #map}, {transform_indices = #map}, {transform_indices = #map1}, {transform_indices = #map1}]} {
    %mul3A = arith.constant 2 : i32
    %mul3A_0 = arith.muli %arg1, %mul3A : i32
    %add3A = arith.addi %mul3A_0, %arg0 : i32
    %scan3A = arith.constant 0 : i32
    %scan3A_1 = arith.constant 16 : i32
    %scan3A_2 = arith.addi %scan3A, %scan3A_1 : i32
    %scan3A_3 = arith.constant 1 : i32
    scf.for %scan3A_5 = %scan3A to %scan3A_2 step %scan3A_3  : i32 {
      %mul3A_6 = arith.constant 1 : i32
      %mul3A_7 = arith.muli %scan3A_5, %mul3A_6 : i32
      %add3A_8 = arith.constant 0 : i32
      %add3A_9 = arith.addi %add3A_8, %mul3A_7 : i32
      %mul3A_10 = arith.constant 128 : i32
      %mul3A_11 = arith.muli %add3A, %mul3A_10 : i32
      %mul3A_12 = arith.constant 8 : i32
      %mul3A_13 = arith.muli %add3A_9, %mul3A_12 : i32
      %add3A_14 = arith.addi %mul3A_11, %mul3A_13 : i32
      "tpu.region"() ({
        %run_scoped3A = tpu.sem_alloc : memref<!tpu.dma_semaphore, #tpu.memory_space<semaphore_mem>>
        %dma_start3A = arith.constant 0 : i32
        %dma_start3A_24 = tpu.memref_slice %arg2[%add3A_14, %dma_start3A] : memref<4096x128xi32, #tpu.memory_space<hbm>> -> memref<8x128xi32, #tpu.memory_space<hbm>>
        %dma_start3A_25 = arith.constant 0 : i32
        %dma_start3A_26 = tpu.memref_slice %arg2[%add3A_14, %dma_start3A_25] : memref<4096x128xi32, #tpu.memory_space<hbm>> -> memref<8x128xi32, #tpu.memory_space<hbm>>
        tpu.enqueue_dma source(%dma_start3A_26 : memref<8x128xi32, #tpu.memory_space<hbm>>) target(%arg6 : memref<8x128xi32, #tpu.memory_space<vmem>>) target_semaphore(%run_scoped3A : memref<!tpu.dma_semaphore, #tpu.memory_space<semaphore_mem>>)
        %dma_wait3A = arith.constant 0 : i32
        %dma_wait3A_27 = tpu.memref_slice %arg2[%add3A_14, %dma_wait3A] : memref<4096x128xi32, #tpu.memory_space<hbm>> -> memref<8x128xi32, #tpu.memory_space<hbm>>
        %dma_wait3A_28 = arith.constant 0 : i32
        %dma_wait3A_29 = tpu.memref_slice %arg2[%add3A_14, %dma_wait3A_28] : memref<4096x128xi32, #tpu.memory_space<hbm>> -> memref<8x128xi32, #tpu.memory_space<hbm>>
        tpu.wait_dma2 semaphore(%run_scoped3A : memref<!tpu.dma_semaphore, #tpu.memory_space<semaphore_mem>>) src(%dma_wait3A_29 : memref<8x128xi32, #tpu.memory_space<hbm>>) dst(%arg6 : memref<8x128xi32, #tpu.memory_space<vmem>>)
        tpu.yield
      }) : () -> ()
      "tpu.region"() ({
        %run_scoped3A = tpu.sem_alloc : memref<!tpu.dma_semaphore, #tpu.memory_space<semaphore_mem>>
        %dma_start3A = arith.constant 0 : i32
        %dma_start3A_24 = tpu.memref_slice %arg3[%add3A_14, %dma_start3A] : memref<4096x128xi32, #tpu.memory_space<hbm>> -> memref<8x128xi32, #tpu.memory_space<hbm>>
        %dma_start3A_25 = arith.constant 0 : i32
        %dma_start3A_26 = tpu.memref_slice %arg3[%add3A_14, %dma_start3A_25] : memref<4096x128xi32, #tpu.memory_space<hbm>> -> memref<8x128xi32, #tpu.memory_space<hbm>>
        tpu.enqueue_dma source(%dma_start3A_26 : memref<8x128xi32, #tpu.memory_space<hbm>>) target(%arg7 : memref<8x128xi32, #tpu.memory_space<vmem>>) target_semaphore(%run_scoped3A : memref<!tpu.dma_semaphore, #tpu.memory_space<semaphore_mem>>)
        %dma_wait3A = arith.constant 0 : i32
        %dma_wait3A_27 = tpu.memref_slice %arg3[%add3A_14, %dma_wait3A] : memref<4096x128xi32, #tpu.memory_space<hbm>> -> memref<8x128xi32, #tpu.memory_space<hbm>>
        %dma_wait3A_28 = arith.constant 0 : i32
        %dma_wait3A_29 = tpu.memref_slice %arg3[%add3A_14, %dma_wait3A_28] : memref<4096x128xi32, #tpu.memory_space<hbm>> -> memref<8x128xi32, #tpu.memory_space<hbm>>
        tpu.wait_dma2 semaphore(%run_scoped3A : memref<!tpu.dma_semaphore, #tpu.memory_space<semaphore_mem>>) src(%dma_wait3A_29 : memref<8x128xi32, #tpu.memory_space<hbm>>) dst(%arg7 : memref<8x128xi32, #tpu.memory_space<vmem>>)
        tpu.yield
      }) : () -> ()
      %scan3A_15 = arith.constant 0 : i32
      %scan3A_16 = arith.constant 8 : i32
      %scan3A_17 = arith.addi %scan3A_15, %scan3A_16 : i32
      %scan3A_18 = arith.constant 1 : i32
      scf.for %scan3A_24 = %scan3A_15 to %scan3A_17 step %scan3A_18  : i32 {
        %mul3A_25 = arith.constant 1 : i32
        %mul3A_26 = arith.muli %scan3A_24, %mul3A_25 : i32
        %add3A_27 = arith.constant 0 : i32
        %add3A_28 = arith.addi %add3A_27, %mul3A_26 : i32
        %get3A = arith.index_cast %add3A_28 : i32 to index
        %get3A_29 = arith.constant 0 : index
        %get3A_30 = tpu.vector_load %arg6[%get3A, %get3A_29] {strides = array<i32>} : memref<8x128xi32, #tpu.memory_space<vmem>>, vector<1x16xi32>,
        %get3A_31 = vector.shape_cast %get3A_30 : vector<1x16xi32> to vector<16xi32>
        %mul3A_32 = arith.constant 50 : i32
        %mul3A_33 = arith.muli %add3A_28, %mul3A_32 : i32
        %add3A_34 = arith.constant 0 : i32
        %add3A_35 = arith.addi %mul3A_33, %add3A_34 : i32
        %swap3A = arith.index_cast %add3A_35 : i32 to index
        %swap3A_36 = tpu.vector_load %arg8[%swap3A] {strides = array<i32>} : memref<400xi32, #tpu.memory_space<vmem>>, vector<16xi32>,
        %swap3A_37 = vector.shape_cast %swap3A_36 : vector<16xi32> to vector<16xi32>
        %swap3A_38 = vector.shape_cast %get3A_31 : vector<16xi32> to vector<16xi32>
        tpu.vector_store %arg8[%swap3A], %swap3A_38 {strides = array<i32>} : memref<400xi32, #tpu.memory_space<vmem>>, vector<16xi32>,
        %get3A_39 = arith.index_cast %add3A_28 : i32 to index
        %get3A_40 = arith.constant 0 : index
        %get3A_41 = tpu.vector_load %arg7[%get3A_39, %get3A_40] {strides = array<i32>} : memref<8x128xi32, #tpu.memory_space<vmem>>, vector<1x16xi32>,
        %get3A_42 = vector.shape_cast %get3A_41 : vector<1x16xi32> to vector<16xi32>
        %mul3A_43 = arith.constant 50 : i32
        %mul3A_44 = arith.muli %add3A_28, %mul3A_43 : i32
        %add3A_45 = arith.constant 0 : i32
        %add3A_46 = arith.addi %mul3A_44, %add3A_45 : i32
        %swap3A_47 = arith.index_cast %add3A_46 : i32 to index
        %swap3A_48 = tpu.vector_load %arg9[%swap3A_47] {strides = array<i32>} : memref<400xi32, #tpu.memory_space<vmem>>, vector<16xi32>,
        %swap3A_49 = vector.shape_cast %swap3A_48 : vector<16xi32> to vector<16xi32>
        %swap3A_50 = vector.shape_cast %get3A_42 : vector<16xi32> to vector<16xi32>
        tpu.vector_store %arg9[%swap3A_47], %swap3A_50 {strides = array<i32>} : memref<400xi32, #tpu.memory_space<vmem>>, vector<16xi32>,
        %get3A_51 = arith.index_cast %add3A_28 : i32 to index
        %get3A_52 = arith.constant 16 : index
        %get3A_53 = tpu.vector_load %arg6[%get3A_51, %get3A_52] {strides = array<i32>} : memref<8x128xi32, #tpu.memory_space<vmem>>, vector<1x16xi32>,
        %get3A_54 = vector.shape_cast %get3A_53 : vector<1x16xi32> to vector<16xi32>
        %mul3A_55 = arith.constant 50 : i32
        %mul3A_56 = arith.muli %add3A_28, %mul3A_55 : i32
        %add3A_57 = arith.constant 16 : i32
        %add3A_58 = arith.addi %mul3A_56, %add3A_57 : i32
        %swap3A_59 = arith.index_cast %add3A_58 : i32 to index
        %swap3A_60 = tpu.vector_load %arg8[%swap3A_59] {strides = array<i32>} : memref<400xi32, #tpu.memory_space<vmem>>, vector<16xi32>,
        %swap3A_61 = vector.shape_cast %swap3A_60 : vector<16xi32> to vector<16xi32>
        %swap3A_62 = vector.shape_cast %get3A_54 : vector<16xi32> to vector<16xi32>
        tpu.vector_store %arg8[%swap3A_59], %swap3A_62 {strides = array<i32>} : memref<400xi32, #tpu.memory_space<vmem>>, vector<16xi32>,
        %get3A_63 = arith.index_cast %add3A_28 : i32 to index
        %get3A_64 = arith.constant 16 : index
        %get3A_65 = tpu.vector_load %arg7[%get3A_63, %get3A_64] {strides = array<i32>} : memref<8x128xi32, #tpu.memory_space<vmem>>, vector<1x16xi32>,
        %get3A_66 = vector.shape_cast %get3A_65 : vector<1x16xi32> to vector<16xi32>
        %mul3A_67 = arith.constant 50 : i32
        %mul3A_68 = arith.muli %add3A_28, %mul3A_67 : i32
        %add3A_69 = arith.constant 16 : i32
        %add3A_70 = arith.addi %mul3A_68, %add3A_69 : i32
        %swap3A_71 = arith.index_cast %add3A_70 : i32 to index
        %swap3A_72 = tpu.vector_load %arg9[%swap3A_71] {strides = array<i32>} : memref<400xi32, #tpu.memory_space<vmem>>, vector<16xi32>,
        %swap3A_73 = vector.shape_cast %swap3A_72 : vector<16xi32> to vector<16xi32>
        %swap3A_74 = vector.shape_cast %get3A_66 : vector<16xi32> to vector<16xi32>
        tpu.vector_store %arg9[%swap3A_71], %swap3A_74 {strides = array<i32>} : memref<400xi32, #tpu.memory_space<vmem>>, vector<16xi32>,
        %get3A_75 = arith.index_cast %add3A_28 : i32 to index
        %get3A_76 = arith.constant 32 : index
        %get3A_77 = tpu.vector_load %arg6[%get3A_75, %get3A_76] {strides = array<i32>} : memref<8x128xi32, #tpu.memory_space<vmem>>, vector<1x16xi32>,
        %get3A_78 = vector.shape_cast %get3A_77 : vector<1x16xi32> to vector<16xi32>
        %mul3A_79 = arith.constant 50 : i32
        %mul3A_80 = arith.muli %add3A_28, %mul3A_79 : i32
        %add3A_81 = arith.constant 32 : i32
        %add3A_82 = arith.addi %mul3A_80, %add3A_81 : i32
        %swap3A_83 = arith.index_cast %add3A_82 : i32 to index
        %swap3A_84 = tpu.vector_load %arg8[%swap3A_83] {strides = array<i32>} : memref<400xi32, #tpu.memory_space<vmem>>, vector<16xi32>,
        %swap3A_85 = vector.shape_cast %swap3A_84 : vector<16xi32> to vector<16xi32>
        %swap3A_86 = vector.shape_cast %get3A_78 : vector<16xi32> to vector<16xi32>
        tpu.vector_store %arg8[%swap3A_83], %swap3A_86 {strides = array<i32>} : memref<400xi32, #tpu.memory_space<vmem>>, vector<16xi32>,
        %get3A_87 = arith.index_cast %add3A_28 : i32 to index
        %get3A_88 = arith.constant 32 : index
        %get3A_89 = tpu.vector_load %arg7[%get3A_87, %get3A_88] {strides = array<i32>} : memref<8x128xi32, #tpu.memory_space<vmem>>, vector<1x16xi32>,
        %get3A_90 = vector.shape_cast %get3A_89 : vector<1x16xi32> to vector<16xi32>
        %mul3A_91 = arith.constant 50 : i32
        %mul3A_92 = arith.muli %add3A_28, %mul3A_91 : i32
        %add3A_93 = arith.constant 32 : i32
        %add3A_94 = arith.addi %mul3A_92, %add3A_93 : i32
        %swap3A_95 = arith.index_cast %add3A_94 : i32 to index
        %swap3A_96 = tpu.vector_load %arg9[%swap3A_95] {strides = array<i32>} : memref<400xi32, #tpu.memory_space<vmem>>, vector<16xi32>,
        %swap3A_97 = vector.shape_cast %swap3A_96 : vector<16xi32> to vector<16xi32>
        %swap3A_98 = vector.shape_cast %get3A_90 : vector<16xi32> to vector<16xi32>
        tpu.vector_store %arg9[%swap3A_95], %swap3A_98 {strides = array<i32>} : memref<400xi32, #tpu.memory_space<vmem>>, vector<16xi32>,
        %get3A_99 = arith.index_cast %add3A_28 : i32 to index
        %get3A_100 = arith.constant 34 : index
        %get3A_101 = tpu.vector_load %arg6[%get3A_99, %get3A_100] {strides = array<i32>} : memref<8x128xi32, #tpu.memory_space<vmem>>, vector<1x16xi32>,
        %get3A_102 = vector.shape_cast %get3A_101 : vector<1x16xi32> to vector<16xi32>
        %mul3A_103 = arith.constant 50 : i32
        %mul3A_104 = arith.muli %add3A_28, %mul3A_103 : i32
        %add3A_105 = arith.constant 34 : i32
        %add3A_106 = arith.addi %mul3A_104, %add3A_105 : i32
        %swap3A_107 = arith.index_cast %add3A_106 : i32 to index
        %swap3A_108 = tpu.vector_load %arg8[%swap3A_107] {strides = array<i32>} : memref<400xi32, #tpu.memory_space<vmem>>, vector<16xi32>,
        %swap3A_109 = vector.shape_cast %swap3A_108 : vector<16xi32> to vector<16xi32>
        %swap3A_110 = vector.shape_cast %get3A_102 : vector<16xi32> to vector<16xi32>
        tpu.vector_store %arg8[%swap3A_107], %swap3A_110 {strides = array<i32>} : memref<400xi32, #tpu.memory_space<vmem>>, vector<16xi32>,
        %get3A_111 = arith.index_cast %add3A_28 : i32 to index
        %get3A_112 = arith.constant 34 : index
        %get3A_113 = tpu.vector_load %arg7[%get3A_111, %get3A_112] {strides = array<i32>} : memref<8x128xi32, #tpu.memory_space<vmem>>, vector<1x16xi32>,
        %get3A_114 = vector.shape_cast %get3A_113 : vector<1x16xi32> to vector<16xi32>
        %mul3A_115 = arith.constant 50 : i32
        %mul3A_116 = arith.muli %add3A_28, %mul3A_115 : i32
        %add3A_117 = arith.constant 34 : i32
        %add3A_118 = arith.addi %mul3A_116, %add3A_117 : i32
        %swap3A_119 = arith.index_cast %add3A_118 : i32 to index
        %swap3A_120 = tpu.vector_load %arg9[%swap3A_119] {strides = array<i32>} : memref<400xi32, #tpu.memory_space<vmem>>, vector<16xi32>,
        %swap3A_121 = vector.shape_cast %swap3A_120 : vector<16xi32> to vector<16xi32>
        %swap3A_122 = vector.shape_cast %get3A_114 : vector<16xi32> to vector<16xi32>
        tpu.vector_store %arg9[%swap3A_119], %swap3A_122 {strides = array<i32>} : memref<400xi32, #tpu.memory_space<vmem>>, vector<16xi32>,
      }
      %scan3A_19 = arith.constant 8 : i32
      %mul3A_20 = arith.constant 50 : i32
      %mul3A_21 = arith.muli %add3A_14, %mul3A_20 : i32
      "tpu.region"() ({
        %run_scoped3A = tpu.sem_alloc : memref<!tpu.dma_semaphore, #tpu.memory_space<semaphore_mem>>
        %dma_start3A = tpu.memref_slice %arg4[%mul3A_21] : memref<204800xi32, #tpu.memory_space<hbm>> -> memref<400xi32, #tpu.memory_space<hbm>>
        %dma_start3A_24 = tpu.memref_slice %arg4[%mul3A_21] : memref<204800xi32, #tpu.memory_space<hbm>> -> memref<400xi32, #tpu.memory_space<hbm>>
        tpu.enqueue_dma source(%arg8 : memref<400xi32, #tpu.memory_space<vmem>>) target(%dma_start3A_24 : memref<400xi32, #tpu.memory_space<hbm>>) target_semaphore(%run_scoped3A : memref<!tpu.dma_semaphore, #tpu.memory_space<semaphore_mem>>)
        %dma_wait3A = tpu.memref_slice %arg4[%mul3A_21] : memref<204800xi32, #tpu.memory_space<hbm>> -> memref<400xi32, #tpu.memory_space<hbm>>
        %dma_wait3A_25 = tpu.memref_slice %arg4[%mul3A_21] : memref<204800xi32, #tpu.memory_space<hbm>> -> memref<400xi32, #tpu.memory_space<hbm>>
        tpu.wait_dma2 semaphore(%run_scoped3A : memref<!tpu.dma_semaphore, #tpu.memory_space<semaphore_mem>>) src(%arg8 : memref<400xi32, #tpu.memory_space<vmem>>) dst(%dma_wait3A_25 : memref<400xi32, #tpu.memory_space<hbm>>)
        tpu.yield
      }) : () -> ()
      %mul3A_22 = arith.constant 50 : i32
      %mul3A_23 = arith.muli %add3A_14, %mul3A_22 : i32
      "tpu.region"() ({
        %run_scoped3A = tpu.sem_alloc : memref<!tpu.dma_semaphore, #tpu.memory_space<semaphore_mem>>
        %dma_start3A = tpu.memref_slice %arg5[%mul3A_23] : memref<204800xi32, #tpu.memory_space<hbm>> -> memref<400xi32, #tpu.memory_space<hbm>>
        %dma_start3A_24 = tpu.memref_slice %arg5[%mul3A_23] : memref<204800xi32, #tpu.memory_space<hbm>> -> memref<400xi32, #tpu.memory_space<hbm>>
        tpu.enqueue_dma source(%arg9 : memref<400xi32, #tpu.memory_space<vmem>>) target(%dma_start3A_24 : memref<400xi32, #tpu.memory_space<hbm>>) target_semaphore(%run_scoped3A : memref<!tpu.dma_semaphore, #tpu.memory_space<semaphore_mem>>)
        %dma_wait3A = tpu.memref_slice %arg5[%mul3A_23] : memref<204800xi32, #tpu.memory_space<hbm>> -> memref<400xi32, #tpu.memory_space<hbm>>
        %dma_wait3A_25 = tpu.memref_slice %arg5[%mul3A_23] : memref<204800xi32, #tpu.memory_space<hbm>> -> memref<400xi32, #tpu.memory_space<hbm>>
        tpu.wait_dma2 semaphore(%run_scoped3A : memref<!tpu.dma_semaphore, #tpu.memory_space<semaphore_mem>>) src(%arg9 : memref<400xi32, #tpu.memory_space<vmem>>) dst(%dma_wait3A_25 : memref<400xi32, #tpu.memory_space<hbm>>)
        tpu.yield
      }) : () -> ()
    }
    %scan3A_4 = arith.constant 16 : i32
    return
  }
}

#map = affine_map<(d0, d1) -> (0, 0)>
#map1 = affine_map<(d0, d1) -> (0)>
module attributes {stable_mosaic.version = 14 : i64} {
  func.func @k(%arg0: i32, %arg1: i32, %arg2: memref<1000000x32xf32, #tpu.memory_space<hbm>>, %arg3: memref<204800xi32, #tpu.memory_space<hbm>>, %arg4: memref<204800xi32, #tpu.memory_space<hbm>>, %arg5: memref<212992x32xf32, #tpu.memory_space<hbm>>, %arg6: memref<400xi32, #tpu.memory_space<vmem>>, %arg7: memref<400xi32, #tpu.memory_space<vmem>>, %arg8: memref<5x80xi32, #tpu.memory_space<vmem>>, %arg9: memref<400x32xf32, #tpu.memory_space<vmem>>, %arg10: memref<832x32xf32, #tpu.memory_space<vmem>>, %arg11: memref<16x1664x32xf32, #tpu.memory_space<vmem_shared>>) attributes {dimension_semantics = [#tpu.dimension_semantics<core_parallel>, #tpu.dimension_semantics<subcore_parallel>], iteration_bounds = array<i64: 2, 16>, scalar_prefetch = 0 : i64, scratch_operands = 6 : i64, tpu.core_type = #tpu.core_type<sc_vector_subcore>, window_params = [{transform_indices = #map}, {transform_indices = #map1}, {transform_indices = #map1}, {transform_indices = #map}]} {
    %mul3A = arith.constant 2 : i32
    %mul3A_0 = arith.muli %arg1, %mul3A : i32
    %add3A = arith.addi %mul3A_0, %arg0 : i32
    %iota3A = tpu.iota {dimensions = array<i32: 0>} : vector<16xi32>
    %broadcast_in_dim3A = arith.constant 0.000000e+00 : f32
    %broadcast_in_dim3A_1 = vector.broadcast %broadcast_in_dim3A : f32 to vector<16xf32>
    %scan3A = arith.constant 0 : i32
    %scan3A_2 = arith.constant 832 : i32
    %scan3A_3 = arith.addi %scan3A, %scan3A_2 : i32
    %scan3A_4 = arith.constant 1 : i32
    scf.for %scan3A_11 = %scan3A to %scan3A_3 step %scan3A_4  : i32 {
      %mul3A_12 = arith.constant 1 : i32
      %mul3A_13 = arith.muli %scan3A_11, %mul3A_12 : i32
      %add3A_14 = arith.constant 0 : i32
      %add3A_15 = arith.addi %add3A_14, %mul3A_13 : i32
      %swap3A = arith.index_cast %add3A_15 : i32 to index
      %swap3A_16 = arith.constant 0 : index
      %swap3A_17 = tpu.vector_load %arg10[%swap3A, %swap3A_16] {strides = array<i32>} : memref<832x32xf32, #tpu.memory_space<vmem>>, vector<1x16xf32>,
      %swap3A_18 = vector.shape_cast %swap3A_17 : vector<1x16xf32> to vector<16xf32>
      %swap3A_19 = vector.shape_cast %broadcast_in_dim3A_1 : vector<16xf32> to vector<1x16xf32>
      tpu.vector_store %arg10[%swap3A, %swap3A_16], %swap3A_19 {strides = array<i32>} : memref<832x32xf32, #tpu.memory_space<vmem>>, vector<1x16xf32>,
      %swap3A_20 = arith.index_cast %add3A_15 : i32 to index
      %swap3A_21 = arith.constant 16 : index
      %swap3A_22 = tpu.vector_load %arg10[%swap3A_20, %swap3A_21] {strides = array<i32>} : memref<832x32xf32, #tpu.memory_space<vmem>>, vector<1x16xf32>,
      %swap3A_23 = vector.shape_cast %swap3A_22 : vector<1x16xf32> to vector<16xf32>
      %swap3A_24 = vector.shape_cast %broadcast_in_dim3A_1 : vector<16xf32> to vector<1x16xf32>
      tpu.vector_store %arg10[%swap3A_20, %swap3A_21], %swap3A_24 {strides = array<i32>} : memref<832x32xf32, #tpu.memory_space<vmem>>, vector<1x16xf32>,
    }
    %scan3A_5 = arith.constant 832 : i32
    %scan3A_6 = arith.constant 0 : i32
    %scan3A_7 = arith.constant 4 : i32
    %scan3A_8 = arith.addi %scan3A_6, %scan3A_7 : i32
    %scan3A_9 = arith.constant 1 : i32
    scf.for %scan3A_11 = %scan3A_6 to %scan3A_8 step %scan3A_9  : i32 {
      %mul3A_12 = arith.constant 1 : i32
      %mul3A_13 = arith.muli %scan3A_11, %mul3A_12 : i32
      %add3A_14 = arith.constant 0 : i32
      %add3A_15 = arith.addi %add3A_14, %mul3A_13 : i32
      %mul3A_16 = arith.constant 128 : i32
      %mul3A_17 = arith.muli %add3A, %mul3A_16 : i32
      %mul3A_18 = arith.constant 32 : i32
      %mul3A_19 = arith.muli %add3A_15, %mul3A_18 : i32
      %add3A_20 = arith.addi %mul3A_17, %mul3A_19 : i32
      %scan3A_21 = arith.constant 0 : i32
      %scan3A_22 = arith.constant 2 : i32
      %scan3A_23 = arith.addi %scan3A_21, %scan3A_22 : i32
      %scan3A_24 = arith.constant 1 : i32
      scf.for %scan3A_33 = %scan3A_21 to %scan3A_23 step %scan3A_24  : i32 {
        %mul3A_34 = arith.constant 1 : i32
        %mul3A_35 = arith.muli %scan3A_33, %mul3A_34 : i32
        %add3A_36 = arith.constant 0 : i32
        %add3A_37 = arith.addi %add3A_36, %mul3A_35 : i32
        %mul3A_38 = arith.constant 832 : i32
        %mul3A_39 = arith.muli %add3A_37, %mul3A_38 : i32
        "tpu.region"() ({
          %run_scoped3A = tpu.sem_alloc : memref<!tpu.dma_semaphore, #tpu.memory_space<semaphore_mem>>
          %dma_start3A = arith.constant 0 : i32
          %dma_start3A_40 = arith.constant 0 : i32
          %dma_start3A_41 = tpu.memref_slice %arg11[%arg1, %dma_start3A, %dma_start3A_40] : memref<16x1664x32xf32, #tpu.memory_space<vmem_shared>> -> memref<1x1664x32xf32, #tpu.memory_space<vmem_shared>>
          %dma_start3A_42 = tpu.memref_squeeze %dma_start3A_41 : memref<1x1664x32xf32, #tpu.memory_space<vmem_shared>> -> memref<1664x32xf32, #tpu.memory_space<vmem_shared>>
          %dma_start3A_43 = arith.constant 0 : i32
          %dma_start3A_44 = tpu.memref_slice %dma_start3A_42[%mul3A_39, %dma_start3A_43] : memref<1664x32xf32, #tpu.memory_space<vmem_shared>> -> memref<832x32xf32, #tpu.memory_space<vmem_shared>>
          %dma_start3A_45 = arith.constant 0 : i32
          %dma_start3A_46 = arith.constant 0 : i32
          %dma_start3A_47 = tpu.memref_slice %arg11[%arg1, %dma_start3A_45, %dma_start3A_46] : memref<16x1664x32xf32, #tpu.memory_space<vmem_shared>> -> memref<1x1664x32xf32, #tpu.memory_space<vmem_shared>>
          %dma_start3A_48 = tpu.memref_squeeze %dma_start3A_47 : memref<1x1664x32xf32, #tpu.memory_space<vmem_shared>> -> memref<1664x32xf32, #tpu.memory_space<vmem_shared>>
          %dma_start3A_49 = arith.constant 0 : i32
          %dma_start3A_50 = tpu.memref_slice %dma_start3A_48[%mul3A_39, %dma_start3A_49] : memref<1664x32xf32, #tpu.memory_space<vmem_shared>> -> memref<832x32xf32, #tpu.memory_space<vmem_shared>>
          tpu.enqueue_dma source(%arg10 : memref<832x32xf32, #tpu.memory_space<vmem>>) target(%dma_start3A_50 : memref<832x32xf32, #tpu.memory_space<vmem_shared>>) target_semaphore(%run_scoped3A : memref<!tpu.dma_semaphore, #tpu.memory_space<semaphore_mem>>)
          %dma_wait3A = arith.constant 0 : i32
          %dma_wait3A_51 = arith.constant 0 : i32
          %dma_wait3A_52 = tpu.memref_slice %arg11[%arg1, %dma_wait3A, %dma_wait3A_51] : memref<16x1664x32xf32, #tpu.memory_space<vmem_shared>> -> memref<1x1664x32xf32, #tpu.memory_space<vmem_shared>>
          %dma_wait3A_53 = tpu.memref_squeeze %dma_wait3A_52 : memref<1x1664x32xf32, #tpu.memory_space<vmem_shared>> -> memref<1664x32xf32, #tpu.memory_space<vmem_shared>>
          %dma_wait3A_54 = arith.constant 0 : i32
          %dma_wait3A_55 = tpu.memref_slice %dma_wait3A_53[%mul3A_39, %dma_wait3A_54] : memref<1664x32xf32, #tpu.memory_space<vmem_shared>> -> memref<832x32xf32, #tpu.memory_space<vmem_shared>>
          %dma_wait3A_56 = arith.constant 0 : i32
          %dma_wait3A_57 = arith.constant 0 : i32
          %dma_wait3A_58 = tpu.memref_slice %arg11[%arg1, %dma_wait3A_56, %dma_wait3A_57] : memref<16x1664x32xf32, #tpu.memory_space<vmem_shared>> -> memref<1x1664x32xf32, #tpu.memory_space<vmem_shared>>
          %dma_wait3A_59 = tpu.memref_squeeze %dma_wait3A_58 : memref<1x1664x32xf32, #tpu.memory_space<vmem_shared>> -> memref<1664x32xf32, #tpu.memory_space<vmem_shared>>
          %dma_wait3A_60 = arith.constant 0 : i32
          %dma_wait3A_61 = tpu.memref_slice %dma_wait3A_59[%mul3A_39, %dma_wait3A_60] : memref<1664x32xf32, #tpu.memory_space<vmem_shared>> -> memref<832x32xf32, #tpu.memory_space<vmem_shared>>
          tpu.wait_dma2 semaphore(%run_scoped3A : memref<!tpu.dma_semaphore, #tpu.memory_space<semaphore_mem>>) src(%arg10 : memref<832x32xf32, #tpu.memory_space<vmem>>) dst(%dma_wait3A_61 : memref<832x32xf32, #tpu.memory_space<vmem_shared>>)
          tpu.yield
        }) : () -> ()
      }
      %scan3A_25 = arith.constant 2 : i32
      %scan3A_26 = arith.constant 0 : i32
      %scan3A_27 = arith.constant 4 : i32
      %scan3A_28 = arith.addi %scan3A_26, %scan3A_27 : i32
      %scan3A_29 = arith.constant 1 : i32
      scf.for %scan3A_33 = %scan3A_26 to %scan3A_28 step %scan3A_29  : i32 {
        %mul3A_34 = arith.constant 1 : i32
        %mul3A_35 = arith.muli %scan3A_33, %mul3A_34 : i32
        %add3A_36 = arith.constant 0 : i32
        %add3A_37 = arith.addi %add3A_36, %mul3A_35 : i32
        %mul3A_38 = arith.constant 8 : i32
        %mul3A_39 = arith.muli %add3A_37, %mul3A_38 : i32
        %add3A_40 = arith.addi %add3A_20, %mul3A_39 : i32
        %mul3A_41 = arith.constant 50 : i32
        %mul3A_42 = arith.muli %add3A_40, %mul3A_41 : i32
        "tpu.region"() ({
          %run_scoped3A = tpu.sem_alloc : memref<!tpu.dma_semaphore, #tpu.memory_space<semaphore_mem>>
          %dma_start3A = tpu.memref_slice %arg3[%mul3A_42] : memref<204800xi32, #tpu.memory_space<hbm>> -> memref<400xi32, #tpu.memory_space<hbm>>
          %dma_start3A_53 = tpu.memref_slice %arg3[%mul3A_42] : memref<204800xi32, #tpu.memory_space<hbm>> -> memref<400xi32, #tpu.memory_space<hbm>>
          tpu.enqueue_dma source(%dma_start3A_53 : memref<400xi32, #tpu.memory_space<hbm>>) target(%arg6 : memref<400xi32, #tpu.memory_space<vmem>>) target_semaphore(%run_scoped3A : memref<!tpu.dma_semaphore, #tpu.memory_space<semaphore_mem>>)
          %dma_wait3A = tpu.memref_slice %arg3[%mul3A_42] : memref<204800xi32, #tpu.memory_space<hbm>> -> memref<400xi32, #tpu.memory_space<hbm>>
          %dma_wait3A_54 = tpu.memref_slice %arg3[%mul3A_42] : memref<204800xi32, #tpu.memory_space<hbm>> -> memref<400xi32, #tpu.memory_space<hbm>>
          tpu.wait_dma2 semaphore(%run_scoped3A : memref<!tpu.dma_semaphore, #tpu.memory_space<semaphore_mem>>) src(%dma_wait3A_54 : memref<400xi32, #tpu.memory_space<hbm>>) dst(%arg6 : memref<400xi32, #tpu.memory_space<vmem>>)
          tpu.yield
        }) : () -> ()
        "tpu.region"() ({
          %run_scoped3A = tpu.sem_alloc : memref<!tpu.dma_semaphore, #tpu.memory_space<semaphore_mem>>
          %dma_start3A = tpu.memref_slice %arg4[%mul3A_42] : memref<204800xi32, #tpu.memory_space<hbm>> -> memref<400xi32, #tpu.memory_space<hbm>>
          %dma_start3A_53 = tpu.memref_slice %arg4[%mul3A_42] : memref<204800xi32, #tpu.memory_space<hbm>> -> memref<400xi32, #tpu.memory_space<hbm>>
          tpu.enqueue_dma source(%dma_start3A_53 : memref<400xi32, #tpu.memory_space<hbm>>) target(%arg7 : memref<400xi32, #tpu.memory_space<vmem>>) target_semaphore(%run_scoped3A : memref<!tpu.dma_semaphore, #tpu.memory_space<semaphore_mem>>)
          %dma_wait3A = tpu.memref_slice %arg4[%mul3A_42] : memref<204800xi32, #tpu.memory_space<hbm>> -> memref<400xi32, #tpu.memory_space<hbm>>
          %dma_wait3A_54 = tpu.memref_slice %arg4[%mul3A_42] : memref<204800xi32, #tpu.memory_space<hbm>> -> memref<400xi32, #tpu.memory_space<hbm>>
          tpu.wait_dma2 semaphore(%run_scoped3A : memref<!tpu.dma_semaphore, #tpu.memory_space<semaphore_mem>>) src(%dma_wait3A_54 : memref<400xi32, #tpu.memory_space<hbm>>) dst(%arg7 : memref<400xi32, #tpu.memory_space<vmem>>)
          tpu.yield
        }) : () -> ()
        "tpu.region"() ({
          %run_scoped3A = tpu.sem_alloc : memref<!tpu.dma_semaphore, #tpu.memory_space<semaphore_mem>>
          %dma_start3A = arith.constant 0 : i32
          %dma_start3A_53 = arith.constant 0 : i32
          %dma_start3A_54 = tpu.memref_slice %arg2[%dma_start3A, %dma_start3A_53] : memref<1000000x32xf32, #tpu.memory_space<hbm>> -> memref<1000000x32xf32, #tpu.memory_space<hbm>>
          tpu.enqueue_indirect_dma source(%dma_start3A_54 : memref<1000000x32xf32, #tpu.memory_space<hbm>>) target(%arg9 : memref<400x32xf32, #tpu.memory_space<vmem>>) offsets(%arg6 : memref<400xi32, #tpu.memory_space<vmem>>) semaphore(%run_scoped3A : memref<!tpu.dma_semaphore, #tpu.memory_space<semaphore_mem>>)
          %dma_wait3A = arith.constant 0 : i32
          %dma_wait3A_55 = arith.constant 0 : i32
          %dma_wait3A_56 = tpu.memref_slice %arg2[%dma_wait3A, %dma_wait3A_55] : memref<1000000x32xf32, #tpu.memory_space<hbm>> -> memref<1000000x32xf32, #tpu.memory_space<hbm>>
          tpu.wait_indirect_dma semaphore(%run_scoped3A : memref<!tpu.dma_semaphore, #tpu.memory_space<semaphore_mem>>) src(%dma_wait3A_56 : memref<1000000x32xf32, #tpu.memory_space<hbm>>) dst(%arg9 : memref<400x32xf32, #tpu.memory_space<vmem>>)
          tpu.yield
        }) : () -> ()
        %scan3A_43 = arith.constant 0 : i32
        %scan3A_44 = arith.constant 5 : i32
        %scan3A_45 = arith.addi %scan3A_43, %scan3A_44 : i32
        %scan3A_46 = arith.constant 1 : i32
        scf.for %scan3A_53 = %scan3A_43 to %scan3A_45 step %scan3A_46  : i32 {
          %mul3A_54 = arith.constant 1 : i32
          %mul3A_55 = arith.muli %scan3A_53, %mul3A_54 : i32
          %add3A_56 = arith.constant 0 : i32
          %add3A_57 = arith.addi %add3A_56, %mul3A_55 : i32
          %mul3A_58 = arith.constant 80 : i32
          %mul3A_59 = arith.muli %add3A_57, %mul3A_58 : i32
          %add3A_60 = arith.constant 0 : i32
          %add3A_61 = arith.addi %mul3A_59, %add3A_60 : i32
          %get3A = arith.index_cast %add3A_61 : i32 to index
          %get3A_62 = tpu.vector_load %arg7[%get3A] {strides = array<i32>} : memref<400xi32, #tpu.memory_space<vmem>>, vector<16xi32>,
          %get3A_63 = vector.shape_cast %get3A_62 : vector<16xi32> to vector<16xi32>
          %add3A_64 = vector.broadcast %add3A_61 : i32 to vector<16xi32>
          %add3A_65 = arith.addi %add3A_64, %iota3A : vector<16xi32>
          %mul3A_66 = arith.constant 1311 : i32
          %mul3A_67 = vector.broadcast %mul3A_66 : i32 to vector<16xi32>
          %mul3A_68 = arith.muli %add3A_65, %mul3A_67 : vector<16xi32>
          %shift_right_logical3A = arith.constant 16 : i32
          %shift_right_logical3A_69 = vector.broadcast %shift_right_logical3A : i32 to vector<16xi32>
          %shift_right_logical3A_70 = arith.shrui %mul3A_68, %shift_right_logical3A_69 : vector<16xi32>
          %mul3A_71 = arith.constant 52 : i32
          %mul3A_72 = vector.broadcast %mul3A_71 : i32 to vector<16xi32>
          %mul3A_73 = arith.muli %shift_right_logical3A_70, %mul3A_72 : vector<16xi32>
          %mul3A_74 = arith.constant 416 : i32
          %mul3A_75 = arith.muli %add3A_37, %mul3A_74 : i32
          %add3A_76 = vector.broadcast %mul3A_75 : i32 to vector<16xi32>
          %add3A_77 = arith.addi %mul3A_73, %add3A_76 : vector<16xi32>
          %add3A_78 = arith.addi %add3A_77, %get3A_63 : vector<16xi32>
          %swap3A = arith.index_cast %add3A_57 : i32 to index
          %swap3A_79 = arith.constant 0 : index
          %swap3A_80 = tpu.vector_load %arg8[%swap3A, %swap3A_79] {strides = array<i32>} : memref<5x80xi32, #tpu.memory_space<vmem>>, vector<1x16xi32>,
          %swap3A_81 = vector.shape_cast %swap3A_80 : vector<1x16xi32> to vector<16xi32>
          %swap3A_82 = vector.shape_cast %add3A_78 : vector<16xi32> to vector<1x16xi32>
          tpu.vector_store %arg8[%swap3A, %swap3A_79], %swap3A_82 {strides = array<i32>} : memref<5x80xi32, #tpu.memory_space<vmem>>, vector<1x16xi32>,
          %mul3A_83 = arith.constant 80 : i32
          %mul3A_84 = arith.muli %add3A_57, %mul3A_83 : i32
          %add3A_85 = arith.constant 16 : i32
          %add3A_86 = arith.addi %mul3A_84, %add3A_85 : i32
          %get3A_87 = arith.index_cast %add3A_86 : i32 to index
          %get3A_88 = tpu.vector_load %arg7[%get3A_87] {strides = array<i32>} : memref<400xi32, #tpu.memory_space<vmem>>, vector<16xi32>,
          %get3A_89 = vector.shape_cast %get3A_88 : vector<16xi32> to vector<16xi32>
          %add3A_90 = vector.broadcast %add3A_86 : i32 to vector<16xi32>
          %add3A_91 = arith.addi %add3A_90, %iota3A : vector<16xi32>
          %mul3A_92 = arith.constant 1311 : i32
          %mul3A_93 = vector.broadcast %mul3A_92 : i32 to vector<16xi32>
          %mul3A_94 = arith.muli %add3A_91, %mul3A_93 : vector<16xi32>
          %shift_right_logical3A_95 = arith.constant 16 : i32
          %shift_right_logical3A_96 = vector.broadcast %shift_right_logical3A_95 : i32 to vector<16xi32>
          %shift_right_logical3A_97 = arith.shrui %mul3A_94, %shift_right_logical3A_96 : vector<16xi32>
          %mul3A_98 = arith.constant 52 : i32
          %mul3A_99 = vector.broadcast %mul3A_98 : i32 to vector<16xi32>
          %mul3A_100 = arith.muli %shift_right_logical3A_97, %mul3A_99 : vector<16xi32>
          %mul3A_101 = arith.constant 416 : i32
          %mul3A_102 = arith.muli %add3A_37, %mul3A_101 : i32
          %add3A_103 = vector.broadcast %mul3A_102 : i32 to vector<16xi32>
          %add3A_104 = arith.addi %mul3A_100, %add3A_103 : vector<16xi32>
          %add3A_105 = arith.addi %add3A_104, %get3A_89 : vector<16xi32>
          %swap3A_106 = arith.index_cast %add3A_57 : i32 to index
          %swap3A_107 = arith.constant 16 : index
          %swap3A_108 = tpu.vector_load %arg8[%swap3A_106, %swap3A_107] {strides = array<i32>} : memref<5x80xi32, #tpu.memory_space<vmem>>, vector<1x16xi32>,
          %swap3A_109 = vector.shape_cast %swap3A_108 : vector<1x16xi32> to vector<16xi32>
          %swap3A_110 = vector.shape_cast %add3A_105 : vector<16xi32> to vector<1x16xi32>
          tpu.vector_store %arg8[%swap3A_106, %swap3A_107], %swap3A_110 {strides = array<i32>} : memref<5x80xi32, #tpu.memory_space<vmem>>, vector<1x16xi32>,
          %mul3A_111 = arith.constant 80 : i32
          %mul3A_112 = arith.muli %add3A_57, %mul3A_111 : i32
          %add3A_113 = arith.constant 32 : i32
          %add3A_114 = arith.addi %mul3A_112, %add3A_113 : i32
          %get3A_115 = arith.index_cast %add3A_114 : i32 to index
          %get3A_116 = tpu.vector_load %arg7[%get3A_115] {strides = array<i32>} : memref<400xi32, #tpu.memory_space<vmem>>, vector<16xi32>,
          %get3A_117 = vector.shape_cast %get3A_116 : vector<16xi32> to vector<16xi32>
          %add3A_118 = vector.broadcast %add3A_114 : i32 to vector<16xi32>
          %add3A_119 = arith.addi %add3A_118, %iota3A : vector<16xi32>
          %mul3A_120 = arith.constant 1311 : i32
          %mul3A_121 = vector.broadcast %mul3A_120 : i32 to vector<16xi32>
          %mul3A_122 = arith.muli %add3A_119, %mul3A_121 : vector<16xi32>
          %shift_right_logical3A_123 = arith.constant 16 : i32
          %shift_right_logical3A_124 = vector.broadcast %shift_right_logical3A_123 : i32 to vector<16xi32>
          %shift_right_logical3A_125 = arith.shrui %mul3A_122, %shift_right_logical3A_124 : vector<16xi32>
          %mul3A_126 = arith.constant 52 : i32
          %mul3A_127 = vector.broadcast %mul3A_126 : i32 to vector<16xi32>
          %mul3A_128 = arith.muli %shift_right_logical3A_125, %mul3A_127 : vector<16xi32>
          %mul3A_129 = arith.constant 416 : i32
          %mul3A_130 = arith.muli %add3A_37, %mul3A_129 : i32
          %add3A_131 = vector.broadcast %mul3A_130 : i32 to vector<16xi32>
          %add3A_132 = arith.addi %mul3A_128, %add3A_131 : vector<16xi32>
          %add3A_133 = arith.addi %add3A_132, %get3A_117 : vector<16xi32>
          %swap3A_134 = arith.index_cast %add3A_57 : i32 to index
          %swap3A_135 = arith.constant 32 : index
          %swap3A_136 = tpu.vector_load %arg8[%swap3A_134, %swap3A_135] {strides = array<i32>} : memref<5x80xi32, #tpu.memory_space<vmem>>, vector<1x16xi32>,
          %swap3A_137 = vector.shape_cast %swap3A_136 : vector<1x16xi32> to vector<16xi32>
          %swap3A_138 = vector.shape_cast %add3A_133 : vector<16xi32> to vector<1x16xi32>
          tpu.vector_store %arg8[%swap3A_134, %swap3A_135], %swap3A_138 {strides = array<i32>} : memref<5x80xi32, #tpu.memory_space<vmem>>, vector<1x16xi32>,
          %mul3A_139 = arith.constant 80 : i32
          %mul3A_140 = arith.muli %add3A_57, %mul3A_139 : i32
          %add3A_141 = arith.constant 48 : i32
          %add3A_142 = arith.addi %mul3A_140, %add3A_141 : i32
          %get3A_143 = arith.index_cast %add3A_142 : i32 to index
          %get3A_144 = tpu.vector_load %arg7[%get3A_143] {strides = array<i32>} : memref<400xi32, #tpu.memory_space<vmem>>, vector<16xi32>,
          %get3A_145 = vector.shape_cast %get3A_144 : vector<16xi32> to vector<16xi32>
          %add3A_146 = vector.broadcast %add3A_142 : i32 to vector<16xi32>
          %add3A_147 = arith.addi %add3A_146, %iota3A : vector<16xi32>
          %mul3A_148 = arith.constant 1311 : i32
          %mul3A_149 = vector.broadcast %mul3A_148 : i32 to vector<16xi32>
          %mul3A_150 = arith.muli %add3A_147, %mul3A_149 : vector<16xi32>
          %shift_right_logical3A_151 = arith.constant 16 : i32
          %shift_right_logical3A_152 = vector.broadcast %shift_right_logical3A_151 : i32 to vector<16xi32>
          %shift_right_logical3A_153 = arith.shrui %mul3A_150, %shift_right_logical3A_152 : vector<16xi32>
          %mul3A_154 = arith.constant 52 : i32
          %mul3A_155 = vector.broadcast %mul3A_154 : i32 to vector<16xi32>
          %mul3A_156 = arith.muli %shift_right_logical3A_153, %mul3A_155 : vector<16xi32>
          %mul3A_157 = arith.constant 416 : i32
          %mul3A_158 = arith.muli %add3A_37, %mul3A_157 : i32
          %add3A_159 = vector.broadcast %mul3A_158 : i32 to vector<16xi32>
          %add3A_160 = arith.addi %mul3A_156, %add3A_159 : vector<16xi32>
          %add3A_161 = arith.addi %add3A_160, %get3A_145 : vector<16xi32>
          %swap3A_162 = arith.index_cast %add3A_57 : i32 to index
          %swap3A_163 = arith.constant 48 : index
          %swap3A_164 = tpu.vector_load %arg8[%swap3A_162, %swap3A_163] {strides = array<i32>} : memref<5x80xi32, #tpu.memory_space<vmem>>, vector<1x16xi32>,
          %swap3A_165 = vector.shape_cast %swap3A_164 : vector<1x16xi32> to vector<16xi32>
          %swap3A_166 = vector.shape_cast %add3A_161 : vector<16xi32> to vector<1x16xi32>
          tpu.vector_store %arg8[%swap3A_162, %swap3A_163], %swap3A_166 {strides = array<i32>} : memref<5x80xi32, #tpu.memory_space<vmem>>, vector<1x16xi32>,
          %mul3A_167 = arith.constant 80 : i32
          %mul3A_168 = arith.muli %add3A_57, %mul3A_167 : i32
          %add3A_169 = arith.constant 64 : i32
          %add3A_170 = arith.addi %mul3A_168, %add3A_169 : i32
          %get3A_171 = arith.index_cast %add3A_170 : i32 to index
          %get3A_172 = tpu.vector_load %arg7[%get3A_171] {strides = array<i32>} : memref<400xi32, #tpu.memory_space<vmem>>, vector<16xi32>,
          %get3A_173 = vector.shape_cast %get3A_172 : vector<16xi32> to vector<16xi32>
          %add3A_174 = vector.broadcast %add3A_170 : i32 to vector<16xi32>
          %add3A_175 = arith.addi %add3A_174, %iota3A : vector<16xi32>
          %mul3A_176 = arith.constant 1311 : i32
          %mul3A_177 = vector.broadcast %mul3A_176 : i32 to vector<16xi32>
          %mul3A_178 = arith.muli %add3A_175, %mul3A_177 : vector<16xi32>
          %shift_right_logical3A_179 = arith.constant 16 : i32
          %shift_right_logical3A_180 = vector.broadcast %shift_right_logical3A_179 : i32 to vector<16xi32>
          %shift_right_logical3A_181 = arith.shrui %mul3A_178, %shift_right_logical3A_180 : vector<16xi32>
          %mul3A_182 = arith.constant 52 : i32
          %mul3A_183 = vector.broadcast %mul3A_182 : i32 to vector<16xi32>
          %mul3A_184 = arith.muli %shift_right_logical3A_181, %mul3A_183 : vector<16xi32>
          %mul3A_185 = arith.constant 416 : i32
          %mul3A_186 = arith.muli %add3A_37, %mul3A_185 : i32
          %add3A_187 = vector.broadcast %mul3A_186 : i32 to vector<16xi32>
          %add3A_188 = arith.addi %mul3A_184, %add3A_187 : vector<16xi32>
          %add3A_189 = arith.addi %add3A_188, %get3A_173 : vector<16xi32>
          %swap3A_190 = arith.index_cast %add3A_57 : i32 to index
          %swap3A_191 = arith.constant 64 : index
          %swap3A_192 = tpu.vector_load %arg8[%swap3A_190, %swap3A_191] {strides = array<i32>} : memref<5x80xi32, #tpu.memory_space<vmem>>, vector<1x16xi32>,
          %swap3A_193 = vector.shape_cast %swap3A_192 : vector<1x16xi32> to vector<16xi32>
          %swap3A_194 = vector.shape_cast %add3A_189 : vector<16xi32> to vector<1x16xi32>
          tpu.vector_store %arg8[%swap3A_190, %swap3A_191], %swap3A_194 {strides = array<i32>} : memref<5x80xi32, #tpu.memory_space<vmem>>, vector<1x16xi32>,
        }
        %scan3A_47 = arith.constant 5 : i32
        %scan3A_48 = arith.constant 0 : i32
        %scan3A_49 = arith.constant 5 : i32
        %scan3A_50 = arith.addi %scan3A_48, %scan3A_49 : i32
        %scan3A_51 = arith.constant 1 : i32
        scf.for %scan3A_53 = %scan3A_48 to %scan3A_50 step %scan3A_51  : i32 {
          %mul3A_54 = arith.constant 1 : i32
          %mul3A_55 = arith.muli %scan3A_53, %mul3A_54 : i32
          %add3A_56 = arith.constant 0 : i32
          %add3A_57 = arith.addi %add3A_56, %mul3A_55 : i32
          %mul3A_58 = arith.constant 80 : i32
          %mul3A_59 = arith.muli %add3A_57, %mul3A_58 : i32
          "tpu.region"() ({
            %run_scoped3A = tpu.sem_alloc : memref<!tpu.dma_semaphore, #tpu.memory_space<semaphore_mem>>
            %dma_start3A = arith.constant 0 : i32
            %dma_start3A_60 = tpu.memref_slice %arg9[%mul3A_59, %dma_start3A] : memref<400x32xf32, #tpu.memory_space<vmem>> -> memref<80x32xf32, #tpu.memory_space<vmem>>
            %dma_start3A_61 = arith.constant 0 : i32
            %dma_start3A_62 = tpu.memref_slice %arg8[%add3A_57, %dma_start3A_61] : memref<5x80xi32, #tpu.memory_space<vmem>> -> memref<1x80xi32, #tpu.memory_space<vmem>>
            %dma_start3A_63 = tpu.memref_squeeze %dma_start3A_62 : memref<1x80xi32, #tpu.memory_space<vmem>> -> memref<80xi32, #tpu.memory_space<vmem>>
            %dma_start3A_64 = arith.constant 0 : i32
            %dma_start3A_65 = arith.constant 0 : i32
            %dma_start3A_66 = tpu.memref_slice %arg11[%arg1, %dma_start3A_64, %dma_start3A_65] : memref<16x1664x32xf32, #tpu.memory_space<vmem_shared>> -> memref<1x1664x32xf32, #tpu.memory_space<vmem_shared>>
            %dma_start3A_67 = tpu.memref_squeeze %dma_start3A_66 : memref<1x1664x32xf32, #tpu.memory_space<vmem_shared>> -> memref<1664x32xf32, #tpu.memory_space<vmem_shared>>
            %dma_start3A_68 = arith.constant 0 : i32
            %dma_start3A_69 = arith.constant 0 : i32
            %dma_start3A_70 = tpu.memref_slice %dma_start3A_67[%dma_start3A_68, %dma_start3A_69] : memref<1664x32xf32, #tpu.memory_space<vmem_shared>> -> memref<1664x32xf32, #tpu.memory_space<vmem_shared>>
            tpu.enqueue_indirect_dma source(%dma_start3A_60 : memref<80x32xf32, #tpu.memory_space<vmem>>) target(%dma_start3A_70 : memref<1664x32xf32, #tpu.memory_space<vmem_shared>>) offsets(%dma_start3A_63 : memref<80xi32, #tpu.memory_space<vmem>>) semaphore(%run_scoped3A : memref<!tpu.dma_semaphore, #tpu.memory_space<semaphore_mem>>) {add = true}
            %dma_wait3A = arith.constant 0 : i32
            %dma_wait3A_71 = tpu.memref_slice %arg9[%mul3A_59, %dma_wait3A] : memref<400x32xf32, #tpu.memory_space<vmem>> -> memref<80x32xf32, #tpu.memory_space<vmem>>
            %dma_wait3A_72 = arith.constant 0 : i32
            %dma_wait3A_73 = tpu.memref_slice %arg8[%add3A_57, %dma_wait3A_72] : memref<5x80xi32, #tpu.memory_space<vmem>> -> memref<1x80xi32, #tpu.memory_space<vmem>>
            %dma_wait3A_74 = tpu.memref_squeeze %dma_wait3A_73 : memref<1x80xi32, #tpu.memory_space<vmem>> -> memref<80xi32, #tpu.memory_space<vmem>>
            %dma_wait3A_75 = arith.constant 0 : i32
            %dma_wait3A_76 = arith.constant 0 : i32
            %dma_wait3A_77 = tpu.memref_slice %arg11[%arg1, %dma_wait3A_75, %dma_wait3A_76] : memref<16x1664x32xf32, #tpu.memory_space<vmem_shared>> -> memref<1x1664x32xf32, #tpu.memory_space<vmem_shared>>
            %dma_wait3A_78 = tpu.memref_squeeze %dma_wait3A_77 : memref<1x1664x32xf32, #tpu.memory_space<vmem_shared>> -> memref<1664x32xf32, #tpu.memory_space<vmem_shared>>
            %dma_wait3A_79 = arith.constant 0 : i32
            %dma_wait3A_80 = arith.constant 0 : i32
            %dma_wait3A_81 = tpu.memref_slice %dma_wait3A_78[%dma_wait3A_79, %dma_wait3A_80] : memref<1664x32xf32, #tpu.memory_space<vmem_shared>> -> memref<1664x32xf32, #tpu.memory_space<vmem_shared>>
            tpu.wait_indirect_dma semaphore(%run_scoped3A : memref<!tpu.dma_semaphore, #tpu.memory_space<semaphore_mem>>) src(%dma_wait3A_71 : memref<80x32xf32, #tpu.memory_space<vmem>>) dst(%dma_wait3A_81 : memref<1664x32xf32, #tpu.memory_space<vmem_shared>>)
            tpu.yield
          }) : () -> ()
        }
        %scan3A_52 = arith.constant 5 : i32
      }
      %scan3A_30 = arith.constant 4 : i32
      %mul3A_31 = arith.constant 52 : i32
      %mul3A_32 = arith.muli %add3A_20, %mul3A_31 : i32
      "tpu.region"() ({
        %run_scoped3A = tpu.sem_alloc : memref<!tpu.dma_semaphore, #tpu.memory_space<semaphore_mem>>
        %dma_start3A = arith.constant 0 : i32
        %dma_start3A_33 = tpu.memref_slice %arg5[%mul3A_32, %dma_start3A] : memref<212992x32xf32, #tpu.memory_space<hbm>> -> memref<1664x32xf32, #tpu.memory_space<hbm>>
        %dma_start3A_34 = arith.constant 0 : i32
        %dma_start3A_35 = arith.constant 0 : i32
        %dma_start3A_36 = tpu.memref_slice %arg11[%arg1, %dma_start3A_34, %dma_start3A_35] : memref<16x1664x32xf32, #tpu.memory_space<vmem_shared>> -> memref<1x1664x32xf32, #tpu.memory_space<vmem_shared>>
        %dma_start3A_37 = tpu.memref_squeeze %dma_start3A_36 : memref<1x1664x32xf32, #tpu.memory_space<vmem_shared>> -> memref<1664x32xf32, #tpu.memory_space<vmem_shared>>
        tpu.enqueue_dma source(%dma_start3A_37 : memref<1664x32xf32, #tpu.memory_space<vmem_shared>>) target(%dma_start3A_33 : memref<1664x32xf32, #tpu.memory_space<hbm>>) target_semaphore(%run_scoped3A : memref<!tpu.dma_semaphore, #tpu.memory_space<semaphore_mem>>)
        %dma_wait3A = arith.constant 0 : i32
        %dma_wait3A_38 = tpu.memref_slice %arg5[%mul3A_32, %dma_wait3A] : memref<212992x32xf32, #tpu.memory_space<hbm>> -> memref<1664x32xf32, #tpu.memory_space<hbm>>
        %dma_wait3A_39 = arith.constant 0 : i32
        %dma_wait3A_40 = arith.constant 0 : i32
        %dma_wait3A_41 = tpu.memref_slice %arg11[%arg1, %dma_wait3A_39, %dma_wait3A_40] : memref<16x1664x32xf32, #tpu.memory_space<vmem_shared>> -> memref<1x1664x32xf32, #tpu.memory_space<vmem_shared>>
        %dma_wait3A_42 = tpu.memref_squeeze %dma_wait3A_41 : memref<1x1664x32xf32, #tpu.memory_space<vmem_shared>> -> memref<1664x32xf32, #tpu.memory_space<vmem_shared>>
        tpu.wait_dma2 semaphore(%run_scoped3A : memref<!tpu.dma_semaphore, #tpu.memory_space<semaphore_mem>>) src(%dma_wait3A_42 : memref<1664x32xf32, #tpu.memory_space<vmem_shared>>) dst(%dma_wait3A_38 : memref<1664x32xf32, #tpu.memory_space<hbm>>)
        tpu.yield
      }) : () -> ()
    }
    %scan3A_10 = arith.constant 4 : i32
    return
  }
}

module attributes {stable_mosaic.version = 14 : i64} {
  func.func @_pad_body(%arg0: i32, %arg1: memref<512x50xi32, #tpu.memory_space<vmem>>, %arg2: memref<512x50xi32, #tpu.memory_space<vmem>>, %arg3: memref<512x128xi32, #tpu.memory_space<vmem>>, %arg4: memref<512x128xi32, #tpu.memory_space<vmem>>) attributes {dimension_semantics = [#tpu.dimension_semantics<arbitrary>], iteration_bounds = array<i64: 8>, scalar_prefetch = 0 : i64, scratch_operands = 0 : i64, tpu.core_type = #tpu.core_type<tc>, window_params = [{transform_indices = @transform_0, window_bounds = array<i64: 512, 50>}, {transform_indices = @transform_1, window_bounds = array<i64: 512, 50>}, {transform_indices = @transform_2, window_bounds = array<i64: 512, 128>}, {transform_indices = @transform_3, window_bounds = array<i64: 512, 128>}]} {
    %broadcast_in_dim3A = arith.constant 0 : i32
    %broadcast_in_dim3A_0 = vector.broadcast %broadcast_in_dim3A : i32 to vector<512x78xi32>
    %get3A = arith.constant 0 : index
    %get3A_1 = arith.constant 0 : index
    %get3A_2 = vector.load %arg1[%get3A, %get3A_1] : memref<512x50xi32, #tpu.memory_space<vmem>>, vector<512x50xi32>
    %concatenate3A = tpu.concatenate %get3A_2, %broadcast_in_dim3A_0 in 1 : vector<512x50xi32>, vector<512x78xi32> -> vector<512x128xi32>
    %swap3A = arith.constant 0 : index
    %swap3A_3 = arith.constant 0 : index
    %swap3A_4 = vector.load %arg3[%swap3A, %swap3A_3] : memref<512x128xi32, #tpu.memory_space<vmem>>, vector<512x128xi32>
    tpu.vector_store %arg3[%swap3A, %swap3A_3], %concatenate3A {strides = array<i32>} : memref<512x128xi32, #tpu.memory_space<vmem>>, vector<512x128xi32>,
    %get3A_5 = arith.constant 0 : index
    %get3A_6 = arith.constant 0 : index
    %get3A_7 = vector.load %arg2[%get3A_5, %get3A_6] : memref<512x50xi32, #tpu.memory_space<vmem>>, vector<512x50xi32>
    %concatenate3A_8 = tpu.concatenate %get3A_7, %broadcast_in_dim3A_0 in 1 : vector<512x50xi32>, vector<512x78xi32> -> vector<512x128xi32>
    %swap3A_9 = arith.constant 0 : index
    %swap3A_10 = arith.constant 0 : index
    %swap3A_11 = vector.load %arg4[%swap3A_9, %swap3A_10] : memref<512x128xi32, #tpu.memory_space<vmem>>, vector<512x128xi32>
    tpu.vector_store %arg4[%swap3A_9, %swap3A_10], %concatenate3A_8 {strides = array<i32>} : memref<512x128xi32, #tpu.memory_space<vmem>>, vector<512x128xi32>,
    return
  }
  func.func @transform_0(%arg0: i32) -> (i32, i32) {
    %c0_i32 = arith.constant 0 : i32
    %c0_i32_0 = arith.constant 0 : i32
    return %arg0, %c0_i32 : i32, i32
  }
  func.func @transform_1(%arg0: i32) -> (i32, i32) {
    %c0_i32 = arith.constant 0 : i32
    %c0_i32_0 = arith.constant 0 : i32
    return %arg0, %c0_i32 : i32, i32
  }
  func.func @transform_2(%arg0: i32) -> (i32, i32) {
    %c0_i32 = arith.constant 0 : i32
    %c0_i32_0 = arith.constant 0 : i32
    return %arg0, %c0_i32 : i32, i32
  }
  func.func @transform_3(%arg0: i32) -> (i32, i32) {
    %c0_i32 = arith.constant 0 : i32
    %c0_i32_0 = arith.constant 0 : i32
    return %arg0, %c0_i32 : i32, i32
  }
}

module attributes {stable_mosaic.version = 14 : i64} {
  func.func @_xpose_body(%arg0: i32, %arg1: memref<32x4096xf32, #tpu.memory_space<vmem>>, %arg2: memref<1024x128xf32, #tpu.memory_space<vmem>>) attributes {dimension_semantics = [#tpu.dimension_semantics<arbitrary>], iteration_bounds = array<i64: 245>, scalar_prefetch = 0 : i64, scratch_operands = 0 : i64, tpu.core_type = #tpu.core_type<tc>, window_params = [{transform_indices = @transform_0, window_bounds = array<i64: 32, 4096>}, {transform_indices = @transform_1, window_bounds = array<i64: 1024, 128>}]} {
    %get3A = arith.constant 0 : index
    %get3A_0 = arith.constant 0 : index
    %get3A_1 = vector.load %arg1[%get3A, %get3A_0] : memref<32x4096xf32, #tpu.memory_space<vmem>>, vector<32x4096xf32>
    %transpose3A = tpu.transpose %get3A_1, [1, 0] : vector<32x4096xf32> -> vector<4096x32xf32>
    %reshape3A = vector.shape_cast %transpose3A : vector<4096x32xf32> to vector<1024x4x32xf32>
    %slice3A = vector.extract_strided_slice %reshape3A {offsets = [0, 0, 0], sizes = [1024, 1, 32], strides = [1, 1, 1]} : vector<1024x4x32xf32> to vector<1024x1x32xf32>
    %squeeze3A = vector.shape_cast %slice3A : vector<1024x1x32xf32> to vector<1024x32xf32>
    %slice3A_2 = vector.extract_strided_slice %reshape3A {offsets = [0, 1, 0], sizes = [1024, 1, 32], strides = [1, 1, 1]} : vector<1024x4x32xf32> to vector<1024x1x32xf32>
    %squeeze3A_3 = vector.shape_cast %slice3A_2 : vector<1024x1x32xf32> to vector<1024x32xf32>
    %slice3A_4 = vector.extract_strided_slice %reshape3A {offsets = [0, 2, 0], sizes = [1024, 1, 32], strides = [1, 1, 1]} : vector<1024x4x32xf32> to vector<1024x1x32xf32>
    %squeeze3A_5 = vector.shape_cast %slice3A_4 : vector<1024x1x32xf32> to vector<1024x32xf32>
    %slice3A_6 = vector.extract_strided_slice %reshape3A {offsets = [0, 3, 0], sizes = [1024, 1, 32], strides = [1, 1, 1]} : vector<1024x4x32xf32> to vector<1024x1x32xf32>
    %squeeze3A_7 = vector.shape_cast %slice3A_6 : vector<1024x1x32xf32> to vector<1024x32xf32>
    %concatenate3A = tpu.concatenate %squeeze3A, %squeeze3A_3, %squeeze3A_5, %squeeze3A_7 in 1 : vector<1024x32xf32>, vector<1024x32xf32>, vector<1024x32xf32>, vector<1024x32xf32> -> vector<1024x128xf32>
    %swap3A = arith.constant 0 : index
    %swap3A_8 = arith.constant 0 : index
    %swap3A_9 = vector.load %arg2[%swap3A, %swap3A_8] : memref<1024x128xf32, #tpu.memory_space<vmem>>, vector<1024x128xf32>
    tpu.vector_store %arg2[%swap3A, %swap3A_8], %concatenate3A {strides = array<i32>} : memref<1024x128xf32, #tpu.memory_space<vmem>>, vector<1024x128xf32>,
    return
  }
  func.func @transform_0(%arg0: i32) -> (i32, i32) {
    %c0_i32 = arith.constant 0 : i32
    %c0_i32_0 = arith.constant 0 : i32
    return %c0_i32, %arg0 : i32, i32
  }
  func.func @transform_1(%arg0: i32) -> (i32, i32) {
    %c0_i32 = arith.constant 0 : i32
    %c0_i32_0 = arith.constant 0 : i32
    return %arg0, %c0_i32 : i32, i32
  }
}

module attributes {stable_mosaic.version = 14 : i64} {
  func.func @_tc_body(%arg0: i32, %arg1: memref<128x1664xf32, #tpu.memory_space<vmem>>, %arg2: memref<50x32xf32, #tpu.memory_space<vmem>>, %arg3: memref<128x1024xf32, #tpu.memory_space<vmem>>, %arg4: memref<1x128xf32, #tpu.memory_space<vmem>>, %arg5: memref<128x128xf32, #tpu.memory_space<vmem>>, %arg6: memref<1664x128xf32, #tpu.memory_space<vmem>>) attributes {dimension_semantics = [#tpu.dimension_semantics<arbitrary>], iteration_bounds = array<i64: 32>, scalar_prefetch = 0 : i64, scratch_operands = 1 : i64, tpu.core_type = #tpu.core_type<tc>, window_params = [{transform_indices = @transform_0, window_bounds = array<i64: 128, 1664>}, {pipeline_mode = #tpu.pipeline_mode<synchronous>, transform_indices = @transform_1, window_bounds = array<i64: 50, 32>}, {pipeline_mode = #tpu.pipeline_mode<synchronous>, transform_indices = @transform_2, window_bounds = array<i64: 128, 1024>}, {pipeline_mode = #tpu.pipeline_mode<synchronous>, transform_indices = @transform_3, window_bounds = array<i64: 1, 128>}, {transform_indices = @transform_4, window_bounds = array<i64: 128, 128>}]} {
    %eq3A = arith.constant 0 : i32
    %eq3A_0 = arith.cmpi eq, %arg0, %eq3A : i32
    %convert_element_type3A = arith.extui %eq3A_0 : i1 to i32
    %cond3A = arith.constant 0 : i32
    %cond3A_1 = arith.cmpi ne, %convert_element_type3A, %cond3A : i32
    scf.if %cond3A_1 {
      %get3A_14 = arith.constant 0 : index
      %get3A_15 = arith.constant 0 : index
      %get3A_16 = vector.load %arg2[%get3A_14, %get3A_15] : memref<50x32xf32, #tpu.memory_space<vmem>>, vector<50x32xf32>
      %broadcast_in_dim3A = vector.shape_cast %get3A_16 : vector<50x32xf32> to vector<50x1x32xf32>
      %broadcast_in_dim3A_17 = vector.shape_cast %broadcast_in_dim3A : vector<50x1x32xf32> to vector<50x1x32xf32>
      %broadcast_in_dim3A_18 = vector.broadcast %broadcast_in_dim3A_17 : vector<50x1x32xf32> to vector<50x32x32xf32>
      %reshape3A = vector.shape_cast %broadcast_in_dim3A_18 : vector<50x32x32xf32> to vector<1600x32xf32>
      %iota3A = tpu.iota {dimensions = array<i32: 0>} : vector<32x1024xi32>
      %iota3A_19 = tpu.iota {dimensions = array<i32: 1>} : vector<32x1024xi32>
      %jit3A = arith.constant 32 : i32
      %eq3A_20 = arith.constant 0 : i32
      %eq3A_21 = arith.cmpi eq, %jit3A, %eq3A_20 : i32
      %jit3A_22 = arith.constant 1 : i32
      %select_n3A = arith.select %eq3A_21, %jit3A_22, %jit3A : i32
      %rem3A = vector.broadcast %select_n3A : i32 to vector<32x1024xi32>
      %rem3A_23 = arith.remsi %iota3A_19, %rem3A : vector<32x1024xi32>
      %ne3A = arith.constant 0 : i32
      %ne3A_24 = vector.broadcast %ne3A : i32 to vector<32x1024xi32>
      %ne3A_25 = arith.cmpi ne, %rem3A_23, %ne3A_24 : vector<32x1024xi32>
      %lt3A = arith.constant 0 : i32
      %lt3A_26 = vector.broadcast %lt3A : i32 to vector<32x1024xi32>
      %lt3A_27 = arith.cmpi slt, %rem3A_23, %lt3A_26 : vector<32x1024xi32>
      %lt3A_28 = arith.constant 0 : i32
      %lt3A_29 = arith.cmpi slt, %select_n3A, %lt3A_28 : i32
      %ne3A_30 = vector.broadcast %lt3A_29 : i1 to vector<32x1024xi1>
      %ne3A_31 = vector.broadcast %ne3A_30 : vector<32x1024xi1> to vector<32x1024xi1>
      %ne3A_32 = arith.xori %lt3A_27, %ne3A_31 : vector<32x1024xi1>
      %and3A = arith.andi %ne3A_32, %ne3A_25 : vector<32x1024xi1>
      %add3A_33 = vector.broadcast %select_n3A : i32 to vector<32x1024xi32>
      %add3A_34 = arith.addi %rem3A_23, %add3A_33 : vector<32x1024xi32>
      %select_n3A_35 = arith.select %and3A, %add3A_34, %rem3A_23 : vector<32x1024xi1>, vector<32x1024xi32>
      %eq3A_36 = arith.cmpi eq, %iota3A, %select_n3A_35 : vector<32x1024xi32>
      %convert_element_type3A_37 = arith.extui %eq3A_36 : vector<32x1024xi1> to vector<32x1024xi32>
      %convert_element_type3A_38 = arith.sitofp %convert_element_type3A_37 : vector<32x1024xi32> to vector<32x1024xf32>
      %dot_general3A_39 = arith.constant dense<0.000000e+00> : vector<1600x1024xf32>
      %dot_general3A_40 = tpu.matmul %reshape3A, %convert_element_type3A_38, %dot_general3A_39 {dimension_numbers = #tpu.dot_dimension_numbers<[1], [0], [0], [1], [0, 0, 1, 1], [], []>, transpose_lhs_hint = false} : vector<1600x32xf32>, vector<32x1024xf32>, vector<1600x1024xf32> -> vector<1600x1024xf32>
      %iota3A_41 = tpu.iota {dimensions = array<i32: 0>} : vector<1600x1024xi32>
      %iota3A_42 = tpu.iota {dimensions = array<i32: 1>} : vector<1600x1024xi32>
      %jit3A_43 = arith.constant 32 : i32
      %eq3A_44 = arith.constant 0 : i32
      %eq3A_45 = arith.cmpi eq, %jit3A_43, %eq3A_44 : i32
      %jit3A_46 = arith.constant 1 : i32
      %select_n3A_47 = arith.select %eq3A_45, %jit3A_46, %jit3A_43 : i32
      %rem3A_48 = vector.broadcast %select_n3A_47 : i32 to vector<1600x1024xi32>
      %rem3A_49 = arith.remsi %iota3A_41, %rem3A_48 : vector<1600x1024xi32>
      %ne3A_50 = arith.constant 0 : i32
      %ne3A_51 = vector.broadcast %ne3A_50 : i32 to vector<1600x1024xi32>
      %ne3A_52 = arith.cmpi ne, %rem3A_49, %ne3A_51 : vector<1600x1024xi32>
      %lt3A_53 = arith.constant 0 : i32
      %lt3A_54 = vector.broadcast %lt3A_53 : i32 to vector<1600x1024xi32>
      %lt3A_55 = arith.cmpi slt, %rem3A_49, %lt3A_54 : vector<1600x1024xi32>
      %lt3A_56 = arith.constant 0 : i32
      %lt3A_57 = arith.cmpi slt, %select_n3A_47, %lt3A_56 : i32
      %ne3A_58 = vector.broadcast %lt3A_57 : i1 to vector<1600x1024xi1>
      %ne3A_59 = vector.broadcast %ne3A_58 : vector<1600x1024xi1> to vector<1600x1024xi1>
      %ne3A_60 = arith.xori %lt3A_55, %ne3A_59 : vector<1600x1024xi1>
      %and3A_61 = arith.andi %ne3A_60, %ne3A_52 : vector<1600x1024xi1>
      %add3A_62 = vector.broadcast %select_n3A_47 : i32 to vector<1600x1024xi32>
      %add3A_63 = arith.addi %rem3A_49, %add3A_62 : vector<1600x1024xi32>
      %select_n3A_64 = arith.select %and3A_61, %add3A_63, %rem3A_49 : vector<1600x1024xi1>, vector<1600x1024xi32>
      %jit3A_65 = arith.constant 32 : i32
      %div3A = vector.broadcast %jit3A_65 : i32 to vector<1600x1024xi32>
      %div3A_66 = arith.divsi %iota3A_42, %div3A : vector<1600x1024xi32>
      %sign3A = arith.constant 0 : i32
      %sign3A_67 = vector.broadcast %sign3A : i32 to vector<1600x1024xi32>
      %sign3A_68 = arith.cmpi sgt, %iota3A_42, %sign3A_67 : vector<1600x1024xi32>
      %sign3A_69 = arith.extui %sign3A_68 : vector<1600x1024xi1> to vector<1600x1024xi32>
      %sign3A_70 = arith.constant 0 : i32
      %sign3A_71 = vector.broadcast %sign3A_70 : i32 to vector<1600x1024xi32>
      %sign3A_72 = arith.cmpi slt, %iota3A_42, %sign3A_71 : vector<1600x1024xi32>
      %sign3A_73 = arith.extui %sign3A_72 : vector<1600x1024xi1> to vector<1600x1024xi32>
      %sign3A_74 = arith.subi %sign3A_69, %sign3A_73 : vector<1600x1024xi32>
      %sign3A_75 = arith.constant 0 : i32
      %sign3A_76 = arith.cmpi sgt, %jit3A_65, %sign3A_75 : i32
      %sign3A_77 = arith.extui %sign3A_76 : i1 to i32
      %sign3A_78 = arith.constant 0 : i32
      %sign3A_79 = arith.cmpi slt, %jit3A_65, %sign3A_78 : i32
      %sign3A_80 = arith.extui %sign3A_79 : i1 to i32
      %sign3A_81 = arith.subi %sign3A_77, %sign3A_80 : i32
      %ne3A_82 = vector.broadcast %sign3A_81 : i32 to vector<1600x1024xi32>
      %ne3A_83 = arith.cmpi ne, %sign3A_74, %ne3A_82 : vector<1600x1024xi32>
      %rem3A_84 = vector.broadcast %jit3A_65 : i32 to vector<1600x1024xi32>
      %rem3A_85 = arith.remsi %iota3A_42, %rem3A_84 : vector<1600x1024xi32>
      %ne3A_86 = arith.constant 0 : i32
      %ne3A_87 = vector.broadcast %ne3A_86 : i32 to vector<1600x1024xi32>
      %ne3A_88 = arith.cmpi ne, %rem3A_85, %ne3A_87 : vector<1600x1024xi32>
      %and3A_89 = arith.andi %ne3A_83, %ne3A_88 : vector<1600x1024xi1>
      %sub3A = arith.constant 1 : i32
      %sub3A_90 = vector.broadcast %sub3A : i32 to vector<1600x1024xi32>
      %sub3A_91 = arith.subi %div3A_66, %sub3A_90 : vector<1600x1024xi32>
      %select_n3A_92 = arith.select %and3A_89, %sub3A_91, %div3A_66 : vector<1600x1024xi1>, vector<1600x1024xi32>
      %eq3A_93 = arith.cmpi eq, %select_n3A_64, %select_n3A_92 : vector<1600x1024xi32>
      %convert_element_type3A_94 = arith.extui %eq3A_93 : vector<1600x1024xi1> to vector<1600x1024xi32>
      %convert_element_type3A_95 = arith.sitofp %convert_element_type3A_94 : vector<1600x1024xi32> to vector<1600x1024xf32>
      %mul3A = arith.mulf %dot_general3A_40, %convert_element_type3A_95 : vector<1600x1024xf32>
      %broadcast_in_dim3A_96 = arith.constant 0.000000e+00 : f32
      %broadcast_in_dim3A_97 = vector.broadcast %broadcast_in_dim3A_96 : f32 to vector<1664x128xf32>
      %swap3A_98 = arith.constant 0 : index
      %swap3A_99 = arith.constant 0 : index
      %swap3A_100 = vector.load %arg6[%swap3A_98, %swap3A_99] : memref<1664x128xf32, #tpu.memory_space<vmem>>, vector<1664x128xf32>
      tpu.vector_store %arg6[%swap3A_98, %swap3A_99], %broadcast_in_dim3A_97 {strides = array<i32>} : memref<1664x128xf32, #tpu.memory_space<vmem>>, vector<1664x128xf32>,
      %get3A_101 = arith.constant 0 : index
      %get3A_102 = arith.constant 0 : index
      %get3A_103 = vector.load %arg3[%get3A_101, %get3A_102] : memref<128x1024xf32, #tpu.memory_space<vmem>>, vector<128x1024xf32>
      %dot_general3A_104 = arith.constant dense<0.000000e+00> : vector<1600x128xf32>
      %dot_general3A_105 = tpu.matmul %mul3A, %get3A_103, %dot_general3A_104 {dimension_numbers = #tpu.dot_dimension_numbers<[1], [1], [0], [0], [0, 0, 1, 0], [], []>, transpose_lhs_hint = false} : vector<1600x1024xf32>, vector<128x1024xf32>, vector<1600x128xf32> -> vector<1600x128xf32>
      %swap3A_106 = arith.constant 0 : index
      %swap3A_107 = arith.constant 0 : index
      %swap3A_108 = vector.load %arg6[%swap3A_106, %swap3A_107] : memref<1664x128xf32, #tpu.memory_space<vmem>>, vector<1600x128xf32>
      tpu.vector_store %arg6[%swap3A_106, %swap3A_107], %dot_general3A_105 {strides = array<i32>} : memref<1664x128xf32, #tpu.memory_space<vmem>>, vector<1600x128xf32>,
    } else {
    }
    %get3A = arith.constant 0 : index
    %get3A_2 = arith.constant 0 : index
    %get3A_3 = vector.load %arg1[%get3A, %get3A_2] : memref<128x1664xf32, #tpu.memory_space<vmem>>, vector<128x1664xf32>
    %get3A_4 = arith.constant 0 : index
    %get3A_5 = arith.constant 0 : index
    %get3A_6 = vector.load %arg6[%get3A_4, %get3A_5] : memref<1664x128xf32, #tpu.memory_space<vmem>>, vector<1664x128xf32>
    %dot_general3A = arith.constant dense<0.000000e+00> : vector<128x128xf32>
    %dot_general3A_7 = tpu.matmul %get3A_3, %get3A_6, %dot_general3A {dimension_numbers = #tpu.dot_dimension_numbers<[1], [0], [0], [1], [0, 0, 1, 1], [], []>, transpose_lhs_hint = false} : vector<128x1664xf32>, vector<1664x128xf32>, vector<128x128xf32> -> vector<128x128xf32>
    %get3A_8 = arith.constant 0 : index
    %get3A_9 = arith.constant 0 : index
    %get3A_10 = vector.load %arg4[%get3A_8, %get3A_9] : memref<1x128xf32, #tpu.memory_space<vmem>>, vector<1x128xf32>
    %add3A = vector.broadcast %get3A_10 : vector<1x128xf32> to vector<128x128xf32>
    %add3A_11 = arith.addf %dot_general3A_7, %add3A : vector<128x128xf32>
    %swap3A = arith.constant 0 : index
    %swap3A_12 = arith.constant 0 : index
    %swap3A_13 = vector.load %arg5[%swap3A, %swap3A_12] : memref<128x128xf32, #tpu.memory_space<vmem>>, vector<128x128xf32>
    tpu.vector_store %arg5[%swap3A, %swap3A_12], %add3A_11 {strides = array<i32>} : memref<128x128xf32, #tpu.memory_space<vmem>>, vector<128x128xf32>,
    return
  }
  func.func @transform_0(%arg0: i32) -> (i32, i32) {
    %c0_i32 = arith.constant 0 : i32
    %c0_i32_0 = arith.constant 0 : i32
    return %arg0, %c0_i32 : i32, i32
  }
  func.func @transform_1(%arg0: i32) -> (i32, i32) {
    %c0_i32 = arith.constant 0 : i32
    %c0_i32_0 = arith.constant 0 : i32
    %c0_i32_1 = arith.constant 0 : i32
    return %c0_i32, %c0_i32_0 : i32, i32
  }
  func.func @transform_2(%arg0: i32) -> (i32, i32) {
    %c0_i32 = arith.constant 0 : i32
    %c0_i32_0 = arith.constant 0 : i32
    %c0_i32_1 = arith.constant 0 : i32
    return %c0_i32, %c0_i32_0 : i32, i32
  }
  func.func @transform_3(%arg0: i32) -> (i32, i32) {
    %c0_i32 = arith.constant 0 : i32
    %c0_i32_0 = arith.constant 0 : i32
    %c0_i32_1 = arith.constant 0 : i32
    return %c0_i32, %c0_i32_0 : i32, i32
  }
  func.func @transform_4(%arg0: i32) -> (i32, i32) {
    %c0_i32 = arith.constant 0 : i32
    %c0_i32_0 = arith.constant 0 : i32
    return %arg0, %c0_i32 : i32, i32
  }
}

</mosaic_0001>

<sc_bundles>
// kernel: kernel.10.cloned.1.call-start
scs
__scs_entry_jumppad:
0x0: {  	(pc) =	sbr.rel $0x88, $3  }
0x1: {  	(tag) =	ssettag $0x0;
	lr =	simm.s32 $0x1  }
0x2: {  	[smem:$0x3F9B] =	sst lr;
	_ =	strace $0xD0000000  }
0x3: {  	_ = 	snop  }
0x4: {  	_ = 	snop  }
0x5: {  	_ = 	snop  }
0x6: {  	_ = 	snop  }
0x7: {  	_ = 	snop  }
__scs_overlays_trampoline_lowered:
0x8: {  	[smem:$0x3FAA] =	sst s0  }
0x9: {  	[smem:$0x3FAB] =	sst s1  }
0xa: {  	[smem:$0x3FAC] =	sst s2  }
0xb: {  	[smem:$0x3FAD] =	sst s3  }
0xc: {  	[smem:$0x3FAE] =	sst s4  }
0xd: {  	[smem:$0x3FAF] =	sst s5  }
0xe: {  	[smem:$0x3FB0] =	sst s6  }
0xf: {  	[smem:$0x3FB1] =	sst s7  }
0x10: {  	[smem:$0x3FB2] =	sst s8  }
0x11: {  	[smem:$0x3FB3] =	sst s9;
	s0 =	simm.s32 @!p0 $0x0  }
0x12: {  	s1 =	sld [smem:$0x3F99];
	s0 =	simm.s32 @p0 $0x1  }
0x13: {  	[smem:$0x3FB4] =	sst s0;
	s0 =	simm.s32 @!p1 $0x0  }
0x14: {  	s2 =	sld [smem:$0x3F98];
	s0 =	simm.s32 @p1 $0x1  }
0x15: {  	[smem:$0x3FB5] =	sst s0;
	s0 =	simm.s32 @!p2 $0x0  }
0x16: {  	s3 =	sld [smem:$0x3FDB];
	s0 =	simm.s32 @p2 $0x1  }
0x17: {  	s4 =	simm.s32 $0x1BF5;
	[smem:$0x3FB7] =	sst s0  }
0x18: {  	s0 =	sld [smem:$0x3F9A];
	_ =	swait.ge [sflag:s4], $0x0  }
0x19: {  	s7 =	sld [smem:$0x3F9B]  }
0x1a: {  	s8 =	sadd.s32 $0xFFFFE003, lr  }
0x1b: {  	s9 =	sadd.s32 $0xFFFFFEF7, lr;
	s5 =	simm.s32 $0xFFFFFFFF;
	p2 =	slt.u32 s8, $0xFFFFF086  }
0x1c: {  	p1 =	slt.u32 s9, $0xF7A;
	s5 =	simm.s32 @!p2 $0x0  }
0x1d: {  	s5 =	simm.s32 @p1 $0x1;
	p0 =	seq.s32 s7, s2  }
0x1e: {  	s7 =	smul.u32 @!p0 $0xF7A, s2;
	p2 =	seq.s32 @!p0 s5, $0x0  }
0x1f: {  	s9 =	smul.u32 $0xF7A, s1;
	s8 =	simm.s32 @!p0 $0x1BF5;
	p2 =	por !p2, p0  }
0x20: {  	[sflag:s8] =	ssyncset.s32 @!p0 $0xFFFFF086;
	s6 =	sadd.s32 @!p0 s3, s7;
	s7 =	simm.s32 @!p0 $0x108  }
0x21: {  	s3 =	sadd.s32 s3, s9;
	s6 =	sadd.s32 @!p0 $0x88, s6;
	s7 =	simm.s32 @p2 $0x1082  }
0x22: {  	[simem:s7], [sflag:s8] =	dma.local @!p0 [hbm:s6], $0xF7A  }
0x23: {  	s9 =	sor.u32 $0xD0000000, s2;
	s6 =	simm.s32 $0x108;
	_ =	swait.ge @!p0 [sflag:s8], $0x0  }
0x24: {  	s3 =	sadd.s32 $0x88, s3;
	s6 =	simm.s32 @!p1 $0x1082;
	[sflag:s4] =	ssyncset.s32 $0xFFFFF086  }
0x25: {  	[simem:s6], [sflag:s4] =	dma.local [hbm:s3], $0xF7A  }
0x26: {  	[smem:$0x3F9B] =	sst s1;
	(tag) =	ssettag s2;
	_ =	strace s9  }
0x27: {  	s1 =	sld [smem:$0x3FAB]  }
0x28: {  	s2 =	sld [smem:$0x3FAC]  }
0x29: {  	s4 =	sld [smem:$0x3FAE]  }
0x2a: {  	p0 =	seq.s32 s5, $0x0;
	s5 =	sld [smem:$0x3FAF]  }
0x2b: {  	s6 =	sld [smem:$0x3FB0]  }
0x2c: {  	s7 =	sld [smem:$0x3FB1]  }
0x2d: {  	s3 =	simm.s32 $0x108;
	s8 =	sld [smem:$0x3FB2]  }
0x2e: {  	s3 =	simm.s32 @!p0 $0x1082;
	s9 =	sld [smem:$0x3FB3]  }
0x2f: {  	lr =	sadd.s32 s0, s3;
	s0 =	sld [smem:$0x3FAA]  }
0x30: {  	s3 =	sld [smem:$0x3FAD]  }
0x31: {  	[smem:$0x3FB6] =	sst s10  }
0x32: {  	s10 =	sld [smem:$0x3FB4];
	_ =	sdelay $0x3  }
0x33: {  	p0 =	seq.s32 s10, $0x1;
	s10 =	sld [smem:$0x3FB6];
	_ =	sdelay $0x3  }
0x34: {  	[smem:$0x3FB6] =	sst s10  }
0x35: {  	s10 =	sld [smem:$0x3FB5];
	_ =	sdelay $0x3  }
0x36: {  	p1 =	seq.s32 s10, $0x1;
	s10 =	sld [smem:$0x3FB6];
	_ =	sdelay $0x3  }
0x37: {  	[smem:$0x3FB6] =	sst s10  }
0x38: {  	s10 =	sld [smem:$0x3FB7]  }
0x39: {  	_ = 	snop;
	(pc) =	sbr.ind lr, $3  }
0x3a: {  	_ = 	snop  }
0x3b: {  	_ = 	snop  }
0x3c: {  	p2 =	seq.s32 s10, $0x1;
	s10 =	sld [smem:$0x3FB6]  }
0x3d: {  	_ =	shalt  }
0x3e: {  	_ =	shalt  }
0x3f: {  	_ =	shalt  }
0x40: {  	_ =	shalt  }
0x41: {  	_ =	shalt  }
0x42: {  	_ =	shalt  }
0x43: {  	_ =	shalt  }
0x44: {  	_ =	shalt  }
0x45: {  	_ =	shalt  }
0x46: {  	_ =	shalt  }
0x47: {  	_ =	shalt  }
0x48: {  	_ =	shalt  }
0x49: {  	_ =	shalt  }
0x4a: {  	_ =	shalt  }
0x4b: {  	_ =	shalt  }
0x4c: {  	_ =	shalt  }
0x4d: {  	_ =	shalt  }
0x4e: {  	_ =	shalt  }
0x4f: {  	_ =	shalt  }
0x50: {  	_ =	shalt  }
0x51: {  	_ =	shalt  }
0x52: {  	_ =	shalt  }
0x53: {  	_ =	shalt  }
0x54: {  	_ =	shalt  }
0x55: {  	_ =	shalt  }
0x56: {  	_ =	shalt  }
0x57: {  	_ =	shalt  }
0x58: {  	_ =	shalt  }
0x59: {  	_ =	shalt  }
0x5a: {  	_ =	shalt  }
0x5b: {  	_ =	shalt  }
0x5c: {  	_ =	shalt  }
0x5d: {  	_ =	shalt  }
0x5e: {  	_ =	shalt  }
0x5f: {  	_ =	shalt  }
0x60: {  	_ =	shalt  }
0x61: {  	_ =	shalt  }
0x62: {  	_ =	shalt  }
0x63: {  	_ =	shalt  }
0x64: {  	_ =	shalt  }
0x65: {  	_ =	shalt  }
0x66: {  	_ =	shalt  }
0x67: {  	_ =	shalt  }
0x68: {  	_ =	shalt  }
0x69: {  	_ =	shalt  }
0x6a: {  	_ =	shalt  }
0x6b: {  	_ =	shalt  }
0x6c: {  	_ =	shalt  }
0x6d: {  	_ =	shalt  }
0x6e: {  	_ =	shalt  }
0x6f: {  	_ =	shalt  }
0x70: {  	_ =	shalt  }
0x71: {  	_ =	shalt  }
0x72: {  	_ =	shalt  }
0x73: {  	_ =	shalt  }
0x74: {  	_ =	shalt  }
0x75: {  	_ =	shalt  }
0x76: {  	_ =	shalt  }
0x77: {  	_ =	shalt  }
0x78: {  	_ =	shalt  }
0x79: {  	_ =	shalt  }
0x7a: {  	_ =	shalt  }
0x7b: {  	_ =	shalt  }
0x7c: {  	_ =	shalt  }
0x7d: {  	_ =	shalt  }
0x7e: {  	_ =	shalt  }
0x7f: {  	_ =	shalt  }
0x80: {  	_ =	shalt  }
0x81: {  	_ =	shalt  }
0x82: {  	_ =	shalt  }
0x83: {  	_ =	shalt  }
0x84: {  	_ =	shalt  }
0x85: {  	_ =	shalt  }
0x86: {  	_ =	shalt  }
0x87: {  	_ =	shalt  }
.Lfunc_end0:
.L_simem_size_0:
called_computation.1_lowered:
.L_overlay_start_0:
0x88: {  	s2 =	sld [smem:$0x3FD9]  }
0x89: {  	s3 =	sld [smem:$0x3FFE];
	_ =	sdelay $0x1  }
0x8a: {  	s1 =	srdreg.scid  }
0x8b: {  	s0 =	sand.u32 $0x1, s1  }
0x8c: {  	s16 =	sshll.u32 s0, $0xA;
	s2 =	sadd.s32 s3, s2  }
0x8d: {  	s2 =	sadd.s32 s2, s16  }
0x8e: {  	[smem:$0x3FC2] =	sst s2  }
0x8f: {  	_ = 	snop  }
0x90: {  	(tm) =	ssettm $0x1  }
0x91: {  	s17 =	sld [smem:$0x3FFB];
	_ =	sdelay $0x3  }
0x92: {  	_ =	strace s17  }
0x93: {  	s2 =	sld [smem:$0x3FFC];
	_ =	sdelay $0x3  }
0x94: {  	_ =	strace s2  }
0x95: {  	s2 =	sld [smem:$0x3FFD];
	_ =	sdelay $0x3  }
0x96: {  	_ =	strace s2  }
0x97: {  	_ =	strace $0x8FFFFFFF  }
0x98: {  	s18 =	sld [smem:$0x3FDB];
	_ =	sdelay $0x1  }
0x99: {  	s19 =	simm.s32 $_scs_section_size  }
0x9a: {  	s4 =	simm.s32 $_size__tile_overlayer_lowered;
	s5 =	simm.s32 $_tile_overlayer_lowered  }
0x9b: {  	s22 =	simm.s32 $0x1BFF;
	s21 =	sshll.u32 s5, $0x1;
	s2 =	sadd.s32 s19, s18  }
0x9c: {  	s6 =	simm.s32 $0x0;
	s20 =	sshll.u32 s4, $0x1;
	s4 =	sadd.s32 s21, s2  }
0x9d: {  	[timem:s6], [sflag:s22] =	dma.local [hbm:s4], s20  }
0x9e: {  	_ =	swait.ge [sflag:s22], s20  }
0x9f: {  	s3 =	ssub.s32 $0x0, s20;
	[sflag:s22] =	ssyncset.done $0x0  }
0xa0: {  	[sflag:s22] =	ssyncadd.s32 s3;
	_ =	sdelay $0x1  }
0xa1: {  	s23 =	simm.s32 $0x1B8B  }
0xa2: {  	_ =	swait.ge [sflag:s23], $0x1  }
0xa3: {  	[sflag:s23] =	ssyncset.done $0x0  }
0xa4: {  	s25 =	simm.s32 $0x1B8E;
	s24 =	sld [smem:$0x3FFE];
	[sflag:s23] =	ssyncadd.s32 $0xFFFFFFFF  }
0xa5: {  	s26 =	simm.s32 $execute0_lowered;
	[smem:$0x3FD2] =	sst s25  }
0xa6: {  	s4 =	sshll.u32 s26, $0x1;
	_ =	strace $0x80000049;
	[dreg:$0x1] =	wrdreg $0xFFFFFFFF  }
0xa7: {  	s28 =	simm.s32 $_size_execute0_lowered;
	s2 =	sadd.s32 s2, s4;
	[dreg:$0x0] =	wrdreg $0x0  }
0xa8: {  	s4 =	sshll.u32 s28, $0x1;
	[dreg:$0x2] =	wrdreg s2  }
0xa9: {  	[dreg:$0x3] =	wrdreg s4  }
0xaa: {  	[dreg:$0x4] =	wrdreg $0xC0  }
0xab: {  	_ =	task [dreg:s6], $0x5FFFF  }
0xac: {  	[dreg:$0x1] =	wrdreg $0xFFFFFFFF  }
0xad: {  	[dreg:$0x0] =	wrdreg $0x60  }
0xae: {  	[dreg:$0x2] =	wrdreg s24  }
0xaf: {  	[dreg:$0x3] =	wrdreg $0x9EB00  }
0xb0: {  	[dreg:$0x4] =	wrdreg $0x9  }
0xb1: {  	_ =	task.clear_ibuf [dreg:s6], $0x5FFFF;
	_ =	strace $0x90000049  }
0xb2: {  	s29 =	simm.s32 $0x9;
	_ =	strace $0x8000004B  }
0xb3: {  	_ =	swait.ge [sflag:s29], $0x1  }
0xb4: {  	[sflag:s29] =	ssyncadd.s32 $0xFFFFFFFF  }
0xb5: {  	_ =	strace $0x9000004B  }
0xb6: {  	_ =	sfence  }
0xb7: {  	s30 =	sld [smem:$0x0];
	_ =	sdelay $0x2  }
0xb8: {  	s31 =	sshll.u32 s1, $0xD;
	s1 =	sshrl.u32 s1, $0x2  }
0xb9: {  	s3 =	sand.u32 $0x4000, s31;
	s1 =	sadd.s32 s1, s30  }
0xba: {  	s0 =	sor.u32 s3, s0;
	s1 =	sshll.u32 s1, $0x11  }
0xbb: {  	s0 =	sor.u32 s1, s0  }
0xbc: {  	s0 =	sadd.s32 $0x8F2B, s0  }
0xbd: {  	[sflag:s0] =	ssyncadd.remote.s32 $0x1  }
0xbe: {  	_ =	sfence.sel $0xFFFF  }
0xbf: {  	[dreg:$0x0] =	wrdreg $0xFFFFFFFF;
	(pc) =	sbr.abs _section_cstart, $3  }
0xc0: {  	[dreg:$0x1] =	wrdreg $0xFFFFFFFF  }
0xc1: {  	_ =	task.clear_ibuf [dreg:s6], $0x2FFFF;
	_ =	strace $0x9FFFFFFF  }
0xc2: {  	(tm) =	ssettm $0x7FFFFFFF  }
0xc3: {  	_ =	shalt  }
tec
execute0_lowered:
.L_overlay_start_1:
0x0: {  	(tag) =	ssettag $0x1  }
0x1: {  	s0 =	rddreg [dreg:$0x0]  }
0x2: {  	s7 =	rddreg [dreg:$0x1];
	s2 =	simm.s32 $0x0  }
0x3: {  	s3 =	srdreg.scid;
	s1 =	stileid.u32;
	s12 =	simm.s32 $0x1  }
0x4: {  	s13 =	simm.s32 $0x190;
	s14 =	simm.s32 $0x4B0;
	s15 =	simm.s32 $0x50  }
0x5: {  	s16 =	simm.s32 $0x320;
	s17 =	simm.s32 $0x370;
	s18 =	simm.s32 $0xEB0  }
0x6: {  	s19 =	simm.s32 $0x3C0;
	s20 =	simm.s32 $0x18B0;
	s21 =	simm.s32 $0x410  }
0x7: {  	s22 =	simm.s32 $0x22B0;
	s23 =	simm.s32 $0x460;
	s24 =	simm.s32 $0x2CB0  }
0x8: {  	[smem:$0x7FF] =	sst s2;
	s8 =	sand.u32 $0x1, s3;
	s3 =	sadd.s32 $0x1E200, s0  }
0x9: {  	s10 =	smul.u32 $0x34000, s1;
	s4 =	sadd.s32 $0x11A00, s0;
	s5 =	sadd.s32 $0x17E00, s0  }
0xa: {  	s6 =	sadd.s32 $0x3EEC00, s0;
	s31 =	sshll.u32 s1, $0x8;
	s9 =	ssub.s32 $0x2, s8  }
0xb: {  	_ =	strace $0x8000004A;
	s8 =	sshll.u32 s8, $0x7;
	s11 =	sshrl.u32 s9, $0x1  }
0xc: {  	s30 =	sshrl.u32 s10, $0x2;
	s8 =	sor.u32 s8, s31;
	s29 =	ssub.s32 s9, s11  }
0xd: {  	v1 =	vlaneseq.u32;
	s7 =	sadd.s32 s30, s7;
	s11 =	simm.s32 $0x36B0;
	s0 =	smax.u32 s29, $0x1  }
0xe: {  	v0 =	vimm.f32 $0.0e+00;
	v1 =	vmul.u32 $0x51F, v1;
	s9 =	simm.s32 $0x0;
	s10 =	sadd.s32 $0x6800, s7;
	[dreg:$0x3] =	wrdreg s0  }
.LBB2_1:
0xf: {  	[dreg:$0x4] =	wrdreg s9;
	s0 =	simm.s32 $0x80;
	s9 =	simm.s32 $0x0  }
.LBB2_2:
0x10: {  	p0 =	sne.s32 s0, $0x19F80;
	[tilespmem:s9+$0x36B0] =	vst v0;
	s25 =	smov.u32 s0;
	s0 =	sadd.s32 $0x80, s0  }
.Ltmp0:
0x11: {  	[tilespmem:s9+$0x36C0] =	vst v0;
	(pc) =	sbr.rel @p0 .LBB2_2-.Ltmp0, $2  }
0x12: {  	_ =	sdelay $0x2  }
0x13: {  	s9 =	sshra.s32 s25, $0x2  }
0x14: {  	[tilespmem:s9+$0x36B0] =	vst v0  }
0x15: {  	s26 =	simm.s32 $0x0;
	[tilespmem:s9+$0x36C0] =	vst v0  }
.LBB2_4:
0x16: {  	[spmem:s7] =	stream.linear.scatter [tilespmem:s11], [sflag:$0x1], $0x6800, $0x38;
	[tilespmem:$0x16EB0] =	vst v63  }
0x17: {  	_ =	swait.ge [sflag:s12], $0x6800  }
0x18: {  	[sflag:s12] =	ssyncset.done $0x0  }
0x19: {  	[sflag:s12] =	ssyncadd.s32 $0xFFFF9800  }
0x1a: {  	[spmem:s10] =	stream.linear.scatter [tilespmem:s11], [sflag:$0x1], $0x6800, $0x38;
	[tilespmem:$0x16EB0] =	vst v63  }
0x1b: {  	_ =	swait.ge [sflag:s12], $0x6800  }
0x1c: {  	s0 =	sshll.u32 s26, $0x5;
	[sflag:s12] =	ssyncset.done $0x0  }
0x1d: {  	s29 =	simm.s32 $0x0;
	s28 =	sadd.s32 s8, s0;
	[sflag:s12] =	ssyncadd.s32 $0xFFFF9800  }
.LBB2_5:
0x1e: {  	s0 =	sshll.u32 s29, $0x3  }
0x1f: {  	s0 =	sadd.s32 s28, s0  }
0x20: {  	s0 =	smul.u32 $0x32, s0;
	_ =	sdelay $0x1  }
0x21: {  	s0 =	sshrl.u32 s0, $0x3  }
0x22: {  	s9 =	sadd.s32 s4, s0  }
0x23: {  	[tilespmem:s2], [sflag:$0x1] =	stream.linear.gather [hbm4b:s9+s2], $0x190, $0x38;
	[tilespmem:$0x16EB0] =	vst v63  }
0x24: {  	_ =	swait.ge [sflag:s12], $0x190  }
0x25: {  	[sflag:s12] =	ssyncset.done $0x0  }
0x26: {  	s0 =	sadd.s32 s5, s0;
	[sflag:s12] =	ssyncadd.s32 $0xFFFFFE70  }
0x27: {  	[tilespmem:s13], [sflag:$0x1] =	stream.linear.gather [hbm4b:s0+s2], $0x190, $0x38;
	[tilespmem:$0x16EB0] =	vst v63  }
0x28: {  	_ =	swait.ge [sflag:s12], $0x190  }
0x29: {  	s9 =	simm.s32 $0x0;
	[sflag:s12] =	ssyncset.done $0x0  }
0x2a: {  	v2 =	vmov s9;
	[sflag:s12] =	ssyncadd.s32 $0xFFFFFE70  }
0x2b: {  	v2 =	vmul.u32 $0x51F, v2;
	[tilespmem:s14], [sflag:$0x1] =	stream.indirect.gather [hbm4b:s3+s13], $0x20, s2, s13, $0xb8;
	[tilespmem:$0x16EB0] =	vst v63  }
0x2c: {  	_ =	swait.ge [sflag:s12], $0x3200  }
0x2d: {  	v2 =	vbroadcast v2, $0x0;
	[sflag:s12] =	ssyncset.done $0x0  }
0x2e: {  	s31 =	simm.s32 $0x1B0;
	[sflag:s12] =	ssyncadd.s32 $0xFFFFCE00  }
0x2f: {  	v2 =	vadd.s32 v1, v2;
	v3 =	vld [tilespmem:s31+$0xFFFFFFE0]  }
0x30: {  	s25 =	simm.s32 $0x10;
	s0 =	smul.u32 $0x1A0, s29;
	v2 =	vshrl.u32 v2, $0x10  }
0x31: {  	v5 =	vmov s25;
	v4 =	vmul.u32 $0x34, v2  }
0x32: {  	v5 =	vmul.u32 $0x51F, v5;
	v2 =	vmov s0  }
0x33: {  	v4 =	vadd.s32 v2, v4  }
0x34: {  	s30 =	simm.s32 $0x340;
	v3 =	vadd.s32 v3, v4;
	v4 =	vbroadcast v5, $0x0  }
0x35: {  	[tilespmem:s30+$0xFFFFFFE0] =	vst v3  }
0x36: {  	v3 =	vld [tilespmem:s31+$0xFFFFFFF0];
	v4 =	vadd.s32 v1, v4  }
0x37: {  	s25 =	simm.s32 $0x20;
	v4 =	vshrl.u32 v4, $0x10  }
0x38: {  	v5 =	vmov s25;
	v4 =	vmul.u32 $0x34, v4  }
0x39: {  	v5 =	vmul.u32 $0x51F, v5  }
0x3a: {  	v4 =	vadd.s32 v2, v4  }
0x3b: {  	v3 =	vadd.s32 v3, v4;
	v4 =	vbroadcast v5, $0x0  }
0x3c: {  	[tilespmem:s30+$0xFFFFFFF0] =	vst v3  }
0x3d: {  	v3 =	vld [tilespmem:s31+$0x0];
	v4 =	vadd.s32 v1, v4  }
0x3e: {  	s9 =	simm.s32 $0x30;
	v4 =	vshrl.u32 v4, $0x10  }
0x3f: {  	v5 =	vmov s9;
	v4 =	vmul.u32 $0x34, v4  }
0x40: {  	v5 =	vmul.u32 $0x51F, v5  }
0x41: {  	v4 =	vadd.s32 v2, v4  }
0x42: {  	v3 =	vadd.s32 v3, v4;
	v4 =	vbroadcast v5, $0x0  }
0x43: {  	[tilespmem:s30+$0x0] =	vst v3  }
0x44: {  	v3 =	vld [tilespmem:s31+$0x10];
	v4 =	vadd.s32 v1, v4  }
0x45: {  	s25 =	simm.s32 $0x40;
	v4 =	vshrl.u32 v4, $0x10  }
0x46: {  	v5 =	vmov s25;
	v4 =	vmul.u32 $0x34, v4  }
0x47: {  	v5 =	vmul.u32 $0x51F, v5  }
0x48: {  	v4 =	vadd.s32 v2, v4  }
0x49: {  	v5 =	vbroadcast v5, $0x0;
	v3 =	vadd.s32 v3, v4  }
0x4a: {  	[tilespmem:s30+$0x10] =	vst v3  }
0x4b: {  	v4 =	vadd.s32 v1, v5;
	v3 =	vld [tilespmem:s31+$0x20]  }
0x4c: {  	s0 =	simm.s32 $0x90;
	s9 =	simm.s32 $0xE0;
	s25 =	simm.s32 $0x50;
	v4 =	vshrl.u32 v4, $0x10  }
.LBB2_6:
0x4d: {  	p0 =	sne.s32 s9, $0x180;
	v5 =	vmov s25;
	v4 =	vmul.u32 $0x34, v4  }
0x4e: {  	v5 =	vmul.u32 $0x51F, v5  }
0x4f: {  	v4 =	vadd.s32 v2, v4  }
0x50: {  	v5 =	vbroadcast v5, $0x0;
	v3 =	vadd.s32 v3, v4  }
0x51: {  	s31 =	sadd.s32 $0x50, s31;
	[tilespmem:s30+$0x20] =	vst v3  }
0x52: {  	v3 =	vld [tilespmem:s31+$0xFFFFFFE0];
	v4 =	vadd.s32 v1, v5  }
0x53: {  	s25 =	sadd.s32 $0xFFFFFFD0, s0;
	v4 =	vshrl.u32 v4, $0x10  }
0x54: {  	v5 =	vmov s25;
	v4 =	vmul.u32 $0x34, v4  }
0x55: {  	v5 =	vmul.u32 $0x51F, v5  }
0x56: {  	v4 =	vadd.s32 v2, v4  }
0x57: {  	s30 =	sadd.s32 $0x50, s30;
	v3 =	vadd.s32 v3, v4;
	v4 =	vbroadcast v5, $0x0  }
0x58: {  	[tilespmem:s30+$0xFFFFFFE0] =	vst v3  }
0x59: {  	v3 =	vld [tilespmem:s31+$0xFFFFFFF0];
	v4 =	vadd.s32 v1, v4  }
0x5a: {  	s25 =	sadd.s32 $0xFFFFFFE0, s0;
	v4 =	vshrl.u32 v4, $0x10  }
0x5b: {  	v5 =	vmov s25;
	v4 =	vmul.u32 $0x34, v4  }
0x5c: {  	v5 =	vmul.u32 $0x51F, v5  }
0x5d: {  	v4 =	vadd.s32 v2, v4  }
0x5e: {  	v3 =	vadd.s32 v3, v4;
	v4 =	vbroadcast v5, $0x0  }
0x5f: {  	[tilespmem:s30+$0xFFFFFFF0] =	vst v3  }
0x60: {  	v3 =	vld [tilespmem:s31+$0x0];
	v4 =	vadd.s32 v1, v4  }
0x61: {  	s25 =	sadd.s32 $0xFFFFFFF0, s0;
	v4 =	vshrl.u32 v4, $0x10  }
0x62: {  	v5 =	vmov s25;
	v4 =	vmul.u32 $0x34, v4  }
0x63: {  	v5 =	vmul.u32 $0x51F, v5  }
0x64: {  	v4 =	vadd.s32 v2, v4  }
0x65: {  	v3 =	vadd.s32 v3, v4;
	v4 =	vbroadcast v5, $0x0  }
0x66: {  	[tilespmem:s30+$0x0] =	vst v3  }
0x67: {  	v3 =	vld [tilespmem:s31+$0x10];
	v4 =	vadd.s32 v1, v4  }
0x68: {  	v4 =	vshrl.u32 v4, $0x10  }
0x69: {  	v5 =	vmov s0;
	s0 =	smov.u32 s9;
	v4 =	vmul.u32 $0x34, v4  }
0x6a: {  	v5 =	vmul.u32 $0x51F, v5  }
.Ltmp1:
0x6b: {  	v4 =	vadd.s32 v2, v4;
	(pc) =	sbr.rel @p0 .LBB2_6-.Ltmp1, $4  }
0x6c: {  	v3 =	vadd.s32 v3, v4;
	v4 =	vbroadcast v5, $0x0  }
0x6d: {  	[tilespmem:s30+$0x10] =	vst v3  }
0x6e: {  	v3 =	vld [tilespmem:s31+$0x20];
	v4 =	vadd.s32 v1, v4  }
0x6f: {  	s9 =	sadd.s32 $0x50, s9;
	s25 =	sadd.s32 $0xFFFFFFC0, s0;
	v4 =	vshrl.u32 v4, $0x10  }
0x70: {  	v5 =	vmov s25;
	v4 =	vmul.u32 $0x34, v4  }
0x71: {  	v5 =	vmul.u32 $0x51F, v5  }
0x72: {  	v4 =	vadd.s32 v2, v4  }
0x73: {  	v5 =	vbroadcast v5, $0x0;
	v3 =	vadd.s32 v3, v4  }
0x74: {  	s9 =	sadd.s32 $0x50, s31;
	[tilespmem:s30+$0x20] =	vst v3  }
0x75: {  	v3 =	vld [tilespmem:s9+$0xFFFFFFE0];
	v55 =	vadd.s32 v1, v5  }
0x76: {  	s31 =	sadd.s32 $0xFFFFFFD0, s0;
	v4 =	vshrl.u32 v55, $0x10  }
0x77: {  	v56 =	vmov s31;
	v4 =	vmul.u32 $0x34, v4  }
0x78: {  	v5 =	vmul.u32 $0x51F, v56  }
0x79: {  	v4 =	vadd.s32 v2, v4  }
0x7a: {  	s25 =	sadd.s32 $0x50, s30;
	v57 =	vbroadcast v5, $0x0;
	v3 =	vadd.s32 v3, v4  }
0x7b: {  	[tilespmem:s25+$0xFFFFFFE0] =	vst v3  }
0x7c: {  	v4 =	vadd.s32 v1, v57;
	v3 =	vld [tilespmem:s9+$0xFFFFFFF0]  }
0x7d: {  	s31 =	sadd.s32 $0xFFFFFFE0, s0;
	v4 =	vshrl.u32 v4, $0x10  }
0x7e: {  	v58 =	vmov s31;
	v4 =	vmul.u32 $0x34, v4  }
0x7f: {  	v5 =	vmul.u32 $0x51F, v58  }
0x80: {  	v4 =	vadd.s32 v2, v4  }
0x81: {  	v59 =	vbroadcast v5, $0x0;
	v3 =	vadd.s32 v3, v4  }
0x82: {  	[tilespmem:s25+$0xFFFFFFF0] =	vst v3  }
0x83: {  	v4 =	vadd.s32 v1, v59;
	v3 =	vld [tilespmem:s9+$0x0]  }
0x84: {  	s31 =	sadd.s32 $0xFFFFFFF0, s0;
	v4 =	vshrl.u32 v4, $0x10  }
0x85: {  	v60 =	vmov s31;
	v4 =	vmul.u32 $0x34, v4  }
0x86: {  	v5 =	vmul.u32 $0x51F, v60  }
0x87: {  	v4 =	vadd.s32 v2, v4  }
0x88: {  	v61 =	vbroadcast v5, $0x0;
	v3 =	vadd.s32 v3, v4  }
0x89: {  	[tilespmem:s25+$0x0] =	vst v3  }
0x8a: {  	v4 =	vadd.s32 v1, v61;
	v3 =	vld [tilespmem:s9+$0x10]  }
0x8b: {  	v4 =	vshrl.u32 v4, $0x10  }
0x8c: {  	v62 =	vmov s0;
	v4 =	vmul.u32 $0x34, v4  }
0x8d: {  	v5 =	vmul.u32 $0x51F, v62  }
0x8e: {  	v4 =	vadd.s32 v2, v4  }
0x8f: {  	v63 =	vbroadcast v5, $0x0;
	v3 =	vadd.s32 v3, v4  }
0x90: {  	[tilespmem:s25+$0x10] =	vst v3  }
0x91: {  	v4 =	vadd.s32 v1, v63;
	v3 =	vld [tilespmem:s9+$0x20]  }
0x92: {  	v4 =	vshrl.u32 v4, $0x10  }
0x93: {  	v4 =	vmul.u32 $0x34, v4;
	_ =	sdelay $0x1  }
0x94: {  	v2 =	vadd.s32 v2, v4  }
0x95: {  	v2 =	vadd.s32 v3, v2  }
0x96: {  	[tilespmem:s25+$0x20] =	vst v2  }
0x97: {  	[spmem:s7] =	stream.indirect.scatter.add.f32 [tilespmem:s14], [sflag:$0x1], $0x20, s16, s15, $0xb8;
	[tilespmem:$0x16EB0] =	vst v63  }
0x98: {  	_ =	swait.ge [sflag:s12], $0xA00  }
0x99: {  	[sflag:s12] =	ssyncset.done $0x0  }
0x9a: {  	[sflag:s12] =	ssyncadd.s32 $0xFFFFF600  }
0x9b: {  	[spmem:s7] =	stream.indirect.scatter.add.f32 [tilespmem:s18], [sflag:$0x1], $0x20, s17, s15, $0xb8;
	[tilespmem:$0x16EB0] =	vst v63  }
0x9c: {  	_ =	swait.ge [sflag:s12], $0xA00  }
0x9d: {  	[sflag:s12] =	ssyncset.done $0x0  }
0x9e: {  	[sflag:s12] =	ssyncadd.s32 $0xFFFFF600  }
0x9f: {  	[spmem:s7] =	stream.indirect.scatter.add.f32 [tilespmem:s20], [sflag:$0x1], $0x20, s19, s15, $0xb8;
	[tilespmem:$0x16EB0] =	vst v63  }
0xa0: {  	_ =	swait.ge [sflag:s12], $0xA00  }
0xa1: {  	[sflag:s12] =	ssyncset.done $0x0  }
0xa2: {  	[sflag:s12] =	ssyncadd.s32 $0xFFFFF600  }
0xa3: {  	[spmem:s7] =	stream.indirect.scatter.add.f32 [tilespmem:s22], [sflag:$0x1], $0x20, s21, s15, $0xb8;
	[tilespmem:$0x16EB0] =	vst v63  }
0xa4: {  	s29 =	sadd.s32 $0x1, s29;
	_ =	swait.ge [sflag:s12], $0xA00  }
0xa5: {  	p0 =	sne.s32 s29, $0x4;
	[sflag:s12] =	ssyncset.done $0x0  }
.Ltmp2:
0xa6: {  	[sflag:s12] =	ssyncadd.s32 $0xFFFFF600;
	(pc) =	sbr.rel @p0 .LBB2_5-.Ltmp2, $4  }
0xa7: {  	[spmem:s7] =	stream.indirect.scatter.add.f32 [tilespmem:s24], [sflag:$0x1], $0x20, s23, s15, $0xb8;
	[tilespmem:$0x16EB0] =	vst v63  }
0xa8: {  	_ =	swait.ge [sflag:s12], $0xA00  }
0xa9: {  	[sflag:s12] =	ssyncset.done $0x0  }
0xaa: {  	[sflag:s12] =	ssyncadd.s32 $0xFFFFF600  }
0xab: {  	s0 =	smul.u32 $0xD0, s28;
	s26 =	sadd.s32 $0x1, s26  }
0xac: {  	s9 =	sshll.u32 s1, $0x6;
	s25 =	sshrl.u32 s7, $0x3;
	p0 =	sne.s32 s26, $0x4  }
.Ltmp3:
0xad: {  	s9 =	sor.u32 $0x1C01, s9;
	s0 =	sadd.s32 s6, s0;
	(pc) =	sbr.rel @p0 .LBB2_4-.Ltmp3, $4  }
0xae: {  	[hbm:s0], [sflag:s9] =	dma.local [spmem:s25], $0x1A00  }
0xaf: {  	_ =	swait.ge [sflag:s12], $0x1A00  }
0xb0: {  	[sflag:s12] =	ssyncset.done $0x0  }
0xb1: {  	[sflag:s12] =	ssyncadd.s32 $0xFFFFE600  }
0xb2: {  	s9 =	rddreg [dreg:$0x4]  }
0xb3: {  	s0 =	rddreg [dreg:$0x3];
	s9 =	sadd.s32 $0x1, s9  }
0xb4: {  	p0 =	sne.s32 s9, s0  }
.Ltmp4:
0xb5: {  	_ = 	snop;
	(pc) =	sbr.rel @p0 .LBB2_1-.Ltmp4, $1  }
0xb6: {  	_ =	sdelay $0x3  }
0xb7: {  	_ =	sfence.sel $0x180000  }
0xb8: {  	[bflag:$0x0] =	sbarrier.arrive $0xFFFF  }
0xb9: {  	_ =	strace $0x9000004A  }
0xba: {  	[bflag:$0x2] =	sbarrier.arrive $0xFFFF  }
0xbb: {  	p0 =	sne.s32 s1, $0x0;
	s0 =	rddreg [dreg:$0x2]  }
0xbc: {  	s0 =	sadd.s32 @!p0 $0x100000, s0  }
0xbd: {  	[sflag:s0] =	ssyncadd.tile.s32 @!p0 $0x1;
	_ =	shalt  }
.Lfunc_end2:
_tile_overlayer_lowered:
.L_overlay_start_2:
0xbe: {  	(tag) =	ssettag $0x2  }
0xbf: {  	s0 =	rddreg [dreg:$0x0];
	s2 =	stileid.u32  }
0xc0: {  	s1 =	rddreg [dreg:$0x1];
	p0 =	sne.s32 s2, $0x0  }
0xc1: {  	s3 =	rddreg [dreg:$0x2];
	[bflag:$0x3] =	sbarrier.arrive $0xFFFF;
	s2 =	simm.s32 @!p0 $0x1C01  }
0xc2: {  	[timem:s3], [sflag:s2] =	dma.local @!p0 [hbm:s0], s1  }
0xc3: {  	s0 =	simm.s32 @!p0 $0x1  }
0xc4: {  	_ =	swait.ge @!p0 [sflag:s0], s1  }
0xc5: {  	s1 =	ssub.s32 @!p0 $0x0, s1;
	[sflag:s0] =	ssyncset.done @!p0 $0x0  }
0xc6: {  	[sflag:s0] =	ssyncadd.s32 @!p0 s1  }
0xc7: {  	[bflag:$0x3] =	sbarrier.arrive $0xFFFF  }
0xc8: {  	_ =	shalt  }

// kernel: kernel.7.cloned.1.call-start
scs
__scs_entry_jumppad:
0x0: {  	(pc) =	sbr.rel $0x88, $3  }
0x1: {  	(tag) =	ssettag $0x0;
	lr =	simm.s32 $0x1  }
0x2: {  	[smem:$0x3F9B] =	sst lr;
	_ =	strace $0xD0000000  }
0x3: {  	_ = 	snop  }
0x4: {  	_ = 	snop  }
0x5: {  	_ = 	snop  }
0x6: {  	_ = 	snop  }
0x7: {  	_ = 	snop  }
__scs_overlays_trampoline_lowered:
0x8: {  	[smem:$0x3FAA] =	sst s0  }
0x9: {  	[smem:$0x3FAB] =	sst s1  }
0xa: {  	[smem:$0x3FAC] =	sst s2  }
0xb: {  	[smem:$0x3FAD] =	sst s3  }
0xc: {  	[smem:$0x3FAE] =	sst s4  }
0xd: {  	[smem:$0x3FAF] =	sst s5  }
0xe: {  	[smem:$0x3FB0] =	sst s6  }
0xf: {  	[smem:$0x3FB1] =	sst s7  }
0x10: {  	[smem:$0x3FB2] =	sst s8  }
0x11: {  	[smem:$0x3FB3] =	sst s9;
	s0 =	simm.s32 @!p0 $0x0  }
0x12: {  	s1 =	sld [smem:$0x3F99];
	s0 =	simm.s32 @p0 $0x1  }
0x13: {  	[smem:$0x3FB4] =	sst s0;
	s0 =	simm.s32 @!p1 $0x0  }
0x14: {  	s2 =	sld [smem:$0x3F98];
	s0 =	simm.s32 @p1 $0x1  }
0x15: {  	[smem:$0x3FB5] =	sst s0;
	s0 =	simm.s32 @!p2 $0x0  }
0x16: {  	s3 =	sld [smem:$0x3FDB];
	s0 =	simm.s32 @p2 $0x1  }
0x17: {  	s4 =	simm.s32 $0x1BF5;
	[smem:$0x3FB7] =	sst s0  }
0x18: {  	s0 =	sld [smem:$0x3F9A];
	_ =	swait.ge [sflag:s4], $0x0  }
0x19: {  	s7 =	sld [smem:$0x3F9B]  }
0x1a: {  	s8 =	sadd.s32 $0xFFFFE003, lr  }
0x1b: {  	s9 =	sadd.s32 $0xFFFFFEF7, lr;
	s5 =	simm.s32 $0xFFFFFFFF;
	p2 =	slt.u32 s8, $0xFFFFF086  }
0x1c: {  	p1 =	slt.u32 s9, $0xF7A;
	s5 =	simm.s32 @!p2 $0x0  }
0x1d: {  	s5 =	simm.s32 @p1 $0x1;
	p0 =	seq.s32 s7, s2  }
0x1e: {  	s7 =	smul.u32 @!p0 $0xF7A, s2;
	p2 =	seq.s32 @!p0 s5, $0x0  }
0x1f: {  	s9 =	smul.u32 $0xF7A, s1;
	s8 =	simm.s32 @!p0 $0x1BF5;
	p2 =	por !p2, p0  }
0x20: {  	[sflag:s8] =	ssyncset.s32 @!p0 $0xFFFFF086;
	s6 =	sadd.s32 @!p0 s3, s7;
	s7 =	simm.s32 @!p0 $0x108  }
0x21: {  	s3 =	sadd.s32 s3, s9;
	s6 =	sadd.s32 @!p0 $0x88, s6;
	s7 =	simm.s32 @p2 $0x1082  }
0x22: {  	[simem:s7], [sflag:s8] =	dma.local @!p0 [hbm:s6], $0xF7A  }
0x23: {  	s9 =	sor.u32 $0xD0000000, s2;
	s6 =	simm.s32 $0x108;
	_ =	swait.ge @!p0 [sflag:s8], $0x0  }
0x24: {  	s3 =	sadd.s32 $0x88, s3;
	s6 =	simm.s32 @!p1 $0x1082;
	[sflag:s4] =	ssyncset.s32 $0xFFFFF086  }
0x25: {  	[simem:s6], [sflag:s4] =	dma.local [hbm:s3], $0xF7A  }
0x26: {  	[smem:$0x3F9B] =	sst s1;
	(tag) =	ssettag s2;
	_ =	strace s9  }
0x27: {  	s1 =	sld [smem:$0x3FAB]  }
0x28: {  	s2 =	sld [smem:$0x3FAC]  }
0x29: {  	s4 =	sld [smem:$0x3FAE]  }
0x2a: {  	p0 =	seq.s32 s5, $0x0;
	s5 =	sld [smem:$0x3FAF]  }
0x2b: {  	s6 =	sld [smem:$0x3FB0]  }
0x2c: {  	s7 =	sld [smem:$0x3FB1]  }
0x2d: {  	s3 =	simm.s32 $0x108;
	s8 =	sld [smem:$0x3FB2]  }
0x2e: {  	s3 =	simm.s32 @!p0 $0x1082;
	s9 =	sld [smem:$0x3FB3]  }
0x2f: {  	lr =	sadd.s32 s0, s3;
	s0 =	sld [smem:$0x3FAA]  }
0x30: {  	s3 =	sld [smem:$0x3FAD]  }
0x31: {  	[smem:$0x3FB6] =	sst s10  }
0x32: {  	s10 =	sld [smem:$0x3FB4];
	_ =	sdelay $0x3  }
0x33: {  	p0 =	seq.s32 s10, $0x1;
	s10 =	sld [smem:$0x3FB6];
	_ =	sdelay $0x3  }
0x34: {  	[smem:$0x3FB6] =	sst s10  }
0x35: {  	s10 =	sld [smem:$0x3FB5];
	_ =	sdelay $0x3  }
0x36: {  	p1 =	seq.s32 s10, $0x1;
	s10 =	sld [smem:$0x3FB6];
	_ =	sdelay $0x3  }
0x37: {  	[smem:$0x3FB6] =	sst s10  }
0x38: {  	s10 =	sld [smem:$0x3FB7]  }
0x39: {  	_ = 	snop;
	(pc) =	sbr.ind lr, $3  }
0x3a: {  	_ = 	snop  }
0x3b: {  	_ = 	snop  }
0x3c: {  	p2 =	seq.s32 s10, $0x1;
	s10 =	sld [smem:$0x3FB6]  }
0x3d: {  	_ =	shalt  }
0x3e: {  	_ =	shalt  }
0x3f: {  	_ =	shalt  }
0x40: {  	_ =	shalt  }
0x41: {  	_ =	shalt  }
0x42: {  	_ =	shalt  }
0x43: {  	_ =	shalt  }
0x44: {  	_ =	shalt  }
0x45: {  	_ =	shalt  }
0x46: {  	_ =	shalt  }
0x47: {  	_ =	shalt  }
0x48: {  	_ =	shalt  }
0x49: {  	_ =	shalt  }
0x4a: {  	_ =	shalt  }
0x4b: {  	_ =	shalt  }
0x4c: {  	_ =	shalt  }
0x4d: {  	_ =	shalt  }
0x4e: {  	_ =	shalt  }
0x4f: {  	_ =	shalt  }
0x50: {  	_ =	shalt  }
0x51: {  	_ =	shalt  }
0x52: {  	_ =	shalt  }
0x53: {  	_ =	shalt  }
0x54: {  	_ =	shalt  }
0x55: {  	_ =	shalt  }
0x56: {  	_ =	shalt  }
0x57: {  	_ =	shalt  }
0x58: {  	_ =	shalt  }
0x59: {  	_ =	shalt  }
0x5a: {  	_ =	shalt  }
0x5b: {  	_ =	shalt  }
0x5c: {  	_ =	shalt  }
0x5d: {  	_ =	shalt  }
0x5e: {  	_ =	shalt  }
0x5f: {  	_ =	shalt  }
0x60: {  	_ =	shalt  }
0x61: {  	_ =	shalt  }
0x62: {  	_ =	shalt  }
0x63: {  	_ =	shalt  }
0x64: {  	_ =	shalt  }
0x65: {  	_ =	shalt  }
0x66: {  	_ =	shalt  }
0x67: {  	_ =	shalt  }
0x68: {  	_ =	shalt  }
0x69: {  	_ =	shalt  }
0x6a: {  	_ =	shalt  }
0x6b: {  	_ =	shalt  }
0x6c: {  	_ =	shalt  }
0x6d: {  	_ =	shalt  }
0x6e: {  	_ =	shalt  }
0x6f: {  	_ =	shalt  }
0x70: {  	_ =	shalt  }
0x71: {  	_ =	shalt  }
0x72: {  	_ =	shalt  }
0x73: {  	_ =	shalt  }
0x74: {  	_ =	shalt  }
0x75: {  	_ =	shalt  }
0x76: {  	_ =	shalt  }
0x77: {  	_ =	shalt  }
0x78: {  	_ =	shalt  }
0x79: {  	_ =	shalt  }
0x7a: {  	_ =	shalt  }
0x7b: {  	_ =	shalt  }
0x7c: {  	_ =	shalt  }
0x7d: {  	_ =	shalt  }
0x7e: {  	_ =	shalt  }
0x7f: {  	_ =	shalt  }
0x80: {  	_ =	shalt  }
0x81: {  	_ =	shalt  }
0x82: {  	_ =	shalt  }
0x83: {  	_ =	shalt  }
0x84: {  	_ =	shalt  }
0x85: {  	_ =	shalt  }
0x86: {  	_ =	shalt  }
0x87: {  	_ =	shalt  }
.Lfunc_end0:
.L_simem_size_0:
called_computation_lowered:
.L_overlay_start_0:
0x88: {  	s2 =	sld [smem:$0x3FD9]  }
0x89: {  	s3 =	sld [smem:$0x3FFE];
	_ =	sdelay $0x1  }
0x8a: {  	s1 =	srdreg.scid  }
0x8b: {  	s0 =	sand.u32 $0x1, s1  }
0x8c: {  	s17 =	sshll.u32 s0, $0xA;
	s2 =	sadd.s32 s3, s2  }
0x8d: {  	s2 =	sadd.s32 s2, s17  }
0x8e: {  	[smem:$0x3FC2] =	sst s2  }
0x8f: {  	_ = 	snop  }
0x90: {  	s2 =	sld [smem:$0x3FD0];
	(tm) =	ssettm $0x1  }
0x91: {  	s18 =	sld [smem:$0x3FFB];
	_ =	sdelay $0x3  }
0x92: {  	_ =	strace s18  }
0x93: {  	s3 =	sld [smem:$0x3FFC];
	_ =	sdelay $0x3  }
0x94: {  	_ =	strace s3  }
0x95: {  	s3 =	sld [smem:$0x3FFD];
	_ =	sdelay $0x3  }
0x96: {  	_ =	strace s3  }
0x97: {  	_ =	strace $0x8FFFFFFF  }
0x98: {  	s19 =	sld [smem:$0x3FDB];
	_ =	sdelay $0x1  }
0x99: {  	s4 =	simm.s32 $_scs_section_size  }
0x9a: {  	s5 =	simm.s32 $_size__tile_overlayer_lowered;
	s6 =	simm.s32 $_tile_overlayer_lowered  }
0x9b: {  	s22 =	simm.s32 $0x1BFF;
	s21 =	sshll.u32 s6, $0x1;
	s3 =	sadd.s32 s4, s19  }
0x9c: {  	s7 =	simm.s32 $0x0;
	s20 =	sshll.u32 s5, $0x1;
	s5 =	sadd.s32 s21, s3  }
0x9d: {  	[timem:s7], [sflag:s22] =	dma.local [hbm:s5], s20  }
0x9e: {  	_ =	swait.ge [sflag:s22], s20  }
0x9f: {  	s4 =	ssub.s32 $0x0, s20;
	[sflag:s22] =	ssyncset.done $0x0  }
0xa0: {  	[sflag:s22] =	ssyncadd.s32 s4;
	_ =	sdelay $0x1  }
0xa1: {  	s23 =	simm.s32 $0x1B8B  }
0xa2: {  	_ =	swait.ge [sflag:s23], $0x1  }
0xa3: {  	[sflag:s23] =	ssyncset.done $0x0  }
0xa4: {  	s25 =	simm.s32 $0x1B8E;
	s24 =	sld [smem:$0x3FFE];
	[sflag:s23] =	ssyncadd.s32 $0xFFFFFFFF  }
0xa5: {  	s26 =	simm.s32 $execute0_lowered;
	[smem:$0x3FD2] =	sst s25  }
0xa6: {  	s5 =	sshll.u32 s26, $0x1;
	_ =	strace $0x80000046;
	[dreg:$0x1] =	wrdreg $0xFFFFFFFF  }
0xa7: {  	s28 =	simm.s32 $_size_execute0_lowered;
	s3 =	sadd.s32 s3, s5;
	[dreg:$0x0] =	wrdreg $0x0  }
0xa8: {  	s5 =	sshll.u32 s28, $0x1;
	[dreg:$0x2] =	wrdreg s3  }
0xa9: {  	[dreg:$0x3] =	wrdreg s5  }
0xaa: {  	[dreg:$0x4] =	wrdreg $0xC0  }
0xab: {  	_ =	task [dreg:s7], $0x5FFFF  }
0xac: {  	[dreg:$0x1] =	wrdreg $0xFFFFFFFF  }
0xad: {  	[dreg:$0x0] =	wrdreg $0x60  }
0xae: {  	[dreg:$0x2] =	wrdreg s2  }
0xaf: {  	[dreg:$0x3] =	wrdreg s24  }
0xb0: {  	[dreg:$0x4] =	wrdreg $0x9  }
0xb1: {  	_ =	task.clear_ibuf [dreg:s7], $0x5FFFF;
	_ =	strace $0x90000046  }
0xb2: {  	s29 =	simm.s32 $0x9;
	_ =	strace $0x80000048  }
0xb3: {  	_ =	swait.ge [sflag:s29], $0x1  }
0xb4: {  	[sflag:s29] =	ssyncadd.s32 $0xFFFFFFFF  }
0xb5: {  	_ =	strace $0x90000048  }
0xb6: {  	_ =	sfence  }
0xb7: {  	s30 =	sld [smem:$0x0];
	_ =	sdelay $0x2  }
0xb8: {  	s31 =	sshll.u32 s1, $0xD;
	s1 =	sshrl.u32 s1, $0x2  }
0xb9: {  	s3 =	sand.u32 $0x4000, s31;
	s1 =	sadd.s32 s1, s30  }
0xba: {  	s0 =	sor.u32 s3, s0;
	s1 =	sshll.u32 s1, $0x11  }
0xbb: {  	s0 =	sor.u32 s1, s0  }
0xbc: {  	s0 =	sadd.s32 $0x8F2B, s0  }
0xbd: {  	[sflag:s0] =	ssyncadd.remote.s32 $0x1  }
0xbe: {  	_ =	sfence.sel $0xFFFF  }
0xbf: {  	[dreg:$0x0] =	wrdreg $0xFFFFFFFF;
	(pc) =	sbr.abs _section_cstart, $3  }
0xc0: {  	[dreg:$0x1] =	wrdreg $0xFFFFFFFF  }
0xc1: {  	_ =	task.clear_ibuf [dreg:s7], $0x2FFFF;
	_ =	strace $0x9FFFFFFF  }
0xc2: {  	(tm) =	ssettm $0x7FFFFFFF  }
0xc3: {  	_ =	shalt  }
tec
execute0_lowered:
.L_overlay_start_1:
0x0: {  	(tag) =	ssettag $0x1  }
0x1: {  	s4 =	rddreg [dreg:$0x0]  }
0x2: {  	s3 =	rddreg [dreg:$0x1]  }
0x3: {  	s0 =	rddreg [dreg:$0x2]  }
0x4: {  	s1 =	stileid.u32;
	s5 =	srdreg.scid  }
0x5: {  	s2 =	simm.s32 $0x0;
	s12 =	simm.s32 $0x0;
	s5 =	sand.u32 $0x1, s5  }
0x6: {  	s6 =	smul.u32 $0x3200, s1;
	[smem:$0x7FF] =	sst s2;
	s8 =	sshll.u32 s1, $0xC  }
0x7: {  	s7 =	smul.u32 $0x1900, s5;
	_ =	strace $0x80000047;
	s29 =	ssub.s32 $0x2, s5  }
0x8: {  	s9 =	sadd.s32 s8, s3;
	s5 =	sshll.u32 s5, $0xB;
	s4 =	sadd.s32 s8, s4  }
0x9: {  	s8 =	simm.s32 $0x1;
	s10 =	sshrl.u32 s29, $0x1;
	s31 =	sadd.s32 s5, s9  }
0xa: {  	s4 =	sadd.s32 s5, s4;
	s9 =	simm.s32 $0x400;
	s6 =	sadd.s32 s7, s6  }
0xb: {  	s30 =	ssub.s32 s29, s10;
	s5 =	sadd.s32 $0x1A00, s31;
	s6 =	sshrl.u32 s6, $0x3  }
0xc: {  	s10 =	simm.s32 $0x800;
	s11 =	sadd.s32 s6, s3;
	s3 =	smax.u32 s30, $0x1  }
0xd: {  	s6 =	sadd.s32 $0x17E00, s11;
	s7 =	sadd.s32 $0x11A00, s11;
	s11 =	simm.s32 $0xA00  }
.LBB2_1:
0xe: {  	s13 =	smov.u32 s5;
	s14 =	smov.u32 s4;
	s15 =	simm.s32 $0x0  }
.LBB2_2:
0xf: {  	[tilespmem:s2], [sflag:$0x1] =	stream.linear.gather [hbm4b:s14+s2], $0x400, $0x38;
	[tilespmem:$0xC00] =	vst v63  }
0x10: {  	_ =	swait.ge [sflag:s8], $0x400  }
0x11: {  	[sflag:s8] =	ssyncset.done $0x0  }
0x12: {  	[sflag:s8] =	ssyncadd.s32 $0xFFFFFC00  }
0x13: {  	[tilespmem:s9], [sflag:$0x1] =	stream.linear.gather [hbm4b:s13+s2], $0x400, $0x38;
	[tilespmem:$0xC00] =	vst v63  }
0x14: {  	_ =	swait.ge [sflag:s8], $0x400  }
0x15: {  	[sflag:s8] =	ssyncset.done $0x0  }
0x16: {  	[sflag:s8] =	ssyncadd.s32 $0xFFFFFC00  }
0x17: {  	v0 =	vld [tilespmem:$0x0]  }
0x18: {  	v1 =	vld [tilespmem:$0x400]  }
0x19: {  	v2 =	vld [tilespmem:$0x10]  }
0x1a: {  	v3 =	vld [tilespmem:$0x410]  }
0x1b: {  	v4 =	vld [tilespmem:$0x20]  }
0x1c: {  	v61 =	vld [tilespmem:$0x420];
	[tilespmem:$0x800] =	vst v0  }
0x1d: {  	v8 =	vld [tilespmem:$0x80];
	[tilespmem:$0xA00] =	vst v1  }
0x1e: {  	v9 =	vld [tilespmem:$0x480];
	[tilespmem:$0x810] =	vst v2  }
0x1f: {  	v10 =	vld [tilespmem:$0x90];
	[tilespmem:$0xA10] =	vst v3  }
0x20: {  	v11 =	vld [tilespmem:$0x490];
	[tilespmem:$0x820] =	vst v4  }
0x21: {  	v12 =	vld [tilespmem:$0xA0];
	[tilespmem:$0xA20] =	vst v61  }
0x22: {  	v13 =	vld [tilespmem:$0x4A0];
	[tilespmem:$0x832] =	vst v8  }
0x23: {  	v16 =	vld [tilespmem:$0x100];
	[tilespmem:$0xA32] =	vst v9  }
0x24: {  	v17 =	vld [tilespmem:$0x500];
	[tilespmem:$0x842] =	vst v10  }
0x25: {  	v18 =	vld [tilespmem:$0x110];
	[tilespmem:$0xA42] =	vst v11  }
0x26: {  	v19 =	vld [tilespmem:$0x510];
	[tilespmem:$0x852] =	vst v12  }
0x27: {  	v20 =	vld [tilespmem:$0x120];
	[tilespmem:$0xA52] =	vst v13  }
0x28: {  	v21 =	vld [tilespmem:$0x520];
	[tilespmem:$0x864] =	vst v16  }
0x29: {  	v24 =	vld [tilespmem:$0x180];
	[tilespmem:$0xA64] =	vst v17  }
0x2a: {  	v25 =	vld [tilespmem:$0x580];
	[tilespmem:$0x874] =	vst v18  }
0x2b: {  	v26 =	vld [tilespmem:$0x190];
	[tilespmem:$0xA74] =	vst v19  }
0x2c: {  	v27 =	vld [tilespmem:$0x590];
	[tilespmem:$0x884] =	vst v20  }
0x2d: {  	v28 =	vld [tilespmem:$0x1A0];
	[tilespmem:$0xA84] =	vst v21  }
0x2e: {  	v29 =	vld [tilespmem:$0x5A0];
	[tilespmem:$0x896] =	vst v24  }
0x2f: {  	v32 =	vld [tilespmem:$0x200];
	[tilespmem:$0xA96] =	vst v25  }
0x30: {  	v33 =	vld [tilespmem:$0x600];
	[tilespmem:$0x8A6] =	vst v26  }
0x31: {  	v34 =	vld [tilespmem:$0x210];
	[tilespmem:$0xAA6] =	vst v27  }
0x32: {  	v35 =	vld [tilespmem:$0x610];
	[tilespmem:$0x8B6] =	vst v28  }
0x33: {  	v36 =	vld [tilespmem:$0x220];
	[tilespmem:$0xAB6] =	vst v29  }
0x34: {  	v37 =	vld [tilespmem:$0x620];
	[tilespmem:$0x8C8] =	vst v32  }
0x35: {  	v40 =	vld [tilespmem:$0x280];
	[tilespmem:$0xAC8] =	vst v33  }
0x36: {  	v41 =	vld [tilespmem:$0x680];
	[tilespmem:$0x8D8] =	vst v34  }
0x37: {  	v42 =	vld [tilespmem:$0x290];
	[tilespmem:$0xAD8] =	vst v35  }
0x38: {  	v43 =	vld [tilespmem:$0x690];
	[tilespmem:$0x8E8] =	vst v36  }
0x39: {  	v44 =	vld [tilespmem:$0x2A0];
	[tilespmem:$0xAE8] =	vst v37  }
0x3a: {  	v45 =	vld [tilespmem:$0x6A0];
	[tilespmem:$0x8FA] =	vst v40  }
0x3b: {  	v48 =	vld [tilespmem:$0x300];
	[tilespmem:$0xAFA] =	vst v41  }
0x3c: {  	v49 =	vld [tilespmem:$0x700];
	[tilespmem:$0x90A] =	vst v42  }
0x3d: {  	v50 =	vld [tilespmem:$0x310];
	[tilespmem:$0xB0A] =	vst v43  }
0x3e: {  	v51 =	vld [tilespmem:$0x710];
	[tilespmem:$0x91A] =	vst v44  }
0x3f: {  	v52 =	vld [tilespmem:$0x320];
	[tilespmem:$0xB1A] =	vst v45  }
0x40: {  	v53 =	vld [tilespmem:$0x720];
	[tilespmem:$0x92C] =	vst v48  }
0x41: {  	v56 =	vld [tilespmem:$0x380];
	[tilespmem:$0xB2C] =	vst v49  }
0x42: {  	v57 =	vld [tilespmem:$0x780];
	[tilespmem:$0x93C] =	vst v50  }
0x43: {  	v58 =	vld [tilespmem:$0x390];
	[tilespmem:$0xB3C] =	vst v51  }
0x44: {  	v59 =	vld [tilespmem:$0x790];
	[tilespmem:$0x94C] =	vst v52  }
0x45: {  	v60 =	vld [tilespmem:$0x3A0];
	[tilespmem:$0xB4C] =	vst v53  }
0x46: {  	v62 =	vld [tilespmem:$0x22];
	[tilespmem:$0x95E] =	vst v56  }
0x47: {  	v63 =	vld [tilespmem:$0x422];
	[tilespmem:$0xB5E] =	vst v57  }
0x48: {  	v14 =	vld [tilespmem:$0xA2];
	[tilespmem:$0x96E] =	vst v58  }
0x49: {  	v15 =	vld [tilespmem:$0x4A2];
	[tilespmem:$0xB6E] =	vst v59  }
0x4a: {  	v22 =	vld [tilespmem:$0x122];
	[tilespmem:$0x97E] =	vst v60  }
0x4b: {  	v23 =	vld [tilespmem:$0x522];
	[tilespmem:$0x822] =	vst v62  }
0x4c: {  	v30 =	vld [tilespmem:$0x1A2];
	[tilespmem:$0xA22] =	vst v63  }
0x4d: {  	v31 =	vld [tilespmem:$0x5A2];
	[tilespmem:$0x854] =	vst v14  }
0x4e: {  	v38 =	vld [tilespmem:$0x222];
	[tilespmem:$0xA54] =	vst v15  }
0x4f: {  	v39 =	vld [tilespmem:$0x622];
	[tilespmem:$0x886] =	vst v22  }
0x50: {  	v46 =	vld [tilespmem:$0x2A2];
	[tilespmem:$0xA86] =	vst v23  }
0x51: {  	v47 =	vld [tilespmem:$0x6A2];
	[tilespmem:$0x8B8] =	vst v30  }
0x52: {  	v54 =	vld [tilespmem:$0x322];
	[tilespmem:$0xAB8] =	vst v31  }
0x53: {  	v55 =	vld [tilespmem:$0x722];
	[tilespmem:$0x8EA] =	vst v38  }
0x54: {  	v61 =	vld [tilespmem:$0x7A0];
	[tilespmem:$0xAEA] =	vst v39  }
0x55: {  	[tilespmem:$0x91C] =	vst v46;
	v62 =	vld [tilespmem:$0x3A2]  }
0x56: {  	[tilespmem:$0xB1C] =	vst v47;
	v63 =	vld [tilespmem:$0x7A2]  }
0x57: {  	[tilespmem:$0x94E] =	vst v54  }
0x58: {  	[tilespmem:$0xB4E] =	vst v55  }
0x59: {  	[tilespmem:$0xB7E] =	vst v61  }
0x5a: {  	[tilespmem:$0x980] =	vst v62  }
0x5b: {  	s16 =	sadd.s32 s15, s7;
	[tilespmem:$0xB80] =	vst v63  }
0x5c: {  	[hbm4b:s16+s2] =	stream.linear.scatter [tilespmem:s10], [sflag:$0x1], $0x190, $0x38;
	[tilespmem:$0xC00] =	vst v63  }
0x5d: {  	_ =	swait.ge [sflag:s8], $0x190  }
0x5e: {  	p0 =	sne.s32 s15, $0x2EE;
	[sflag:s8] =	ssyncset.done $0x0  }
.Ltmp0:
0x5f: {  	s31 =	sadd.s32 s15, s6;
	[sflag:s8] =	ssyncadd.s32 $0xFFFFFE70;
	(pc) =	sbr.rel @p0 .LBB2_2-.Ltmp0, $4  }
0x60: {  	[hbm4b:s31+s2] =	stream.linear.scatter [tilespmem:s11], [sflag:$0x1], $0x190, $0x38;
	[tilespmem:$0xC00] =	vst v63  }
0x61: {  	_ =	swait.ge [sflag:s8], $0x190  }
0x62: {  	s14 =	sadd.s32 $0x80, s14;
	[sflag:s8] =	ssyncset.done $0x0  }
0x63: {  	s15 =	sadd.s32 $0x32, s15;
	s13 =	sadd.s32 $0x80, s13;
	[sflag:s8] =	ssyncadd.s32 $0xFFFFFE70  }
0x64: {  	s12 =	sadd.s32 $0x1, s12  }
0x65: {  	p0 =	sne.s32 s12, s3  }
.Ltmp1:
0x66: {  	_ = 	snop;
	(pc) =	sbr.rel @p0 .LBB2_1-.Ltmp1, $1  }
0x67: {  	_ =	sdelay $0x3  }
0x68: {  	_ =	sfence.sel $0x180000  }
0x69: {  	[bflag:$0x0] =	sbarrier.arrive $0xFFFF  }
0x6a: {  	p0 =	sne.s32 s1, $0x0;
	_ =	strace $0x90000047  }
0x6b: {  	s0 =	sadd.s32 @!p0 $0x100000, s0;
	[bflag:$0x2] =	sbarrier.arrive $0xFFFF  }
0x6c: {  	[sflag:s0] =	ssyncadd.tile.s32 @!p0 $0x1;
	_ =	shalt  }
.Lfunc_end2:
_tile_overlayer_lowered:
.L_overlay_start_2:
0x6d: {  	(tag) =	ssettag $0x2  }
0x6e: {  	s0 =	rddreg [dreg:$0x0];
	s2 =	stileid.u32  }
0x6f: {  	s1 =	rddreg [dreg:$0x1];
	p0 =	sne.s32 s2, $0x0  }
0x70: {  	s3 =	rddreg [dreg:$0x2];
	[bflag:$0x3] =	sbarrier.arrive $0xFFFF;
	s2 =	simm.s32 @!p0 $0x1C01  }
0x71: {  	[timem:s3], [sflag:s2] =	dma.local @!p0 [hbm:s0], s1  }
0x72: {  	s0 =	simm.s32 @!p0 $0x1  }
0x73: {  	_ =	swait.ge @!p0 [sflag:s0], s1  }
0x74: {  	s1 =	ssub.s32 @!p0 $0x0, s1;
	[sflag:s0] =	ssyncset.done @!p0 $0x0  }
0x75: {  	[sflag:s0] =	ssyncadd.s32 @!p0 s1  }
0x76: {  	[bflag:$0x3] =	sbarrier.arrive $0xFFFF  }
0x77: {  	_ =	shalt  }

</sc_bundles>
